<compile_context>
chip_gen: v7x
topology: tpu7x:2x2x1
jax: 0.10.2.dev20260603
libtpu: 0.0.44.dev20260713+nightly
codegen_flags: <defaults>
</compile_context>

<pallas_src>
import functools

import jax
import jax.numpy as jnp
from jax import lax
from jax.experimental import pallas as pl
from jax.experimental.pallas import tpu as pltpu
from jax.experimental.pallas import tpu_sc as plsc


def _dot(a, b):
    return jnp.dot(a.astype(jnp.bfloat16), b.astype(jnp.bfloat16),
                   preferred_element_type=jnp.float32)


def _enc_body(x_ref, pd_ref, w1_ref, b1_ref, w2_ref, b2_ref, cb_ref,
              ze_ref, idx_ref):
    x2d = x_ref[0]
    lq = x2d.shape[1] // 4
    xcat = _dot(x2d, pd_ref[...])
    x0 = xcat[:, 0:lq]
    x1 = xcat[:, lq:2 * lq]
    x2 = xcat[:, 2 * lq:3 * lq]
    x3 = xcat[:, 3 * lq:4 * lq]
    c_in = x0.shape[0]
    zc = jnp.zeros((c_in, 1), jnp.float32)
    x3m = jnp.concatenate([zc, x3[:, :-1]], axis=1)
    x0p = jnp.concatenate([x0[:, 1:], zc], axis=1)
    xe = jnp.concatenate([x3m, x0, x1, x2], axis=0)
    xo = jnp.concatenate([x1, x2, x3, x0p], axis=0)
    w1 = w1_ref[...]
    b1 = b1_ref[...]
    z1e = jnp.maximum(_dot(w1, xe) + b1, 0.0)
    z1o = jnp.maximum(_dot(w1, xo) + b1, 0.0)
    h = z1e.shape[0]
    zc2 = jnp.zeros((h, 1), jnp.float32)
    z1om = jnp.concatenate([zc2, z1o[:, :-1]], axis=1)
    z1ep = jnp.concatenate([z1e[:, 1:], zc2], axis=1)
    z2cat = jnp.concatenate([z1om, z1e, z1o, z1ep], axis=0)
    ze = _dot(w2_ref[...], z2cat) + b2_ref[...]
    ze_ref[0] = ze
    cb = cb_ref[...]
    sc = _dot(cb, ze)
    x2s = jnp.sum(ze * ze, axis=0, keepdims=True)
    y2 = jnp.sum(cb * cb, axis=1, keepdims=True)
    d = jnp.sqrt(jnp.maximum(x2s + y2 - 2.0 * sc, 0.0))
    dmin = jnp.min(d, axis=0, keepdims=True)
    k = cb.shape[0]
    ii = lax.broadcasted_iota(jnp.int32, (k, d.shape[1]), 0)
    idx = jnp.min(jnp.where(d == dmin, ii, jnp.int32(2**30)), axis=0,
                  keepdims=True)
    idx_ref[0] = idx


def _dec_body(idx_ref, cb_ref, ae_ref, ao_ref, b13_ref, b02_ref,
              db1_ref, db2_ref, pe_ref, out_ref):
    idx = idx_ref[0]
    cb = cb_ref[...]
    kk, dd = cb.shape
    lq = idx.shape[1]
    hf = lq // 2
    r5 = lax.broadcasted_iota(jnp.int32, (lq, hf), 0)
    c5 = lax.broadcasted_iota(jnp.int32, (lq, hf), 1)
    s_e = (r5 == 2 * c5).astype(jnp.float32)
    s_o = (r5 == 2 * c5 + 1).astype(jnp.float32)
    idx_f = idx.astype(jnp.float32)
    hi = lax.Precision.HIGHEST
    idx_e = jnp.dot(idx_f, s_e, precision=hi).astype(jnp.int32)
    idx_o = jnp.dot(idx_f, s_o, precision=hi).astype(jnp.int32)
    ii0 = lax.broadcasted_iota(jnp.int32, (kk, hf), 0)
    m_et = (ii0 == idx_e).astype(jnp.bfloat16)
    m_ot = (ii0 == idx_o).astype(jnp.bfloat16)
    g_e = _dot(jnp.transpose(m_et), cb)
    g_o = jnp.transpose(m_ot)
    g_o = _dot(g_o, cb)
    z = jnp.concatenate([g_e, g_o], axis=1)
    d_ = z.shape[0]
    zc = jnp.zeros((d_, 1), jnp.float32)
    z_m1 = jnp.concatenate([zc, z[:, :-1]], axis=1)
    z_p1 = jnp.concatenate([z[:, 1:], zc], axis=1)
    db1 = db1_ref[...]
    he = jnp.maximum(_dot(ae_ref[...], jnp.concatenate([z, z_m1], axis=0)) + db1, 0.0)
    ho = jnp.maximum(_dot(ao_ref[...], jnp.concatenate([z_p1, z], axis=0)) + db1, 0.0)
    hdim = he.shape[0]
    hc = jnp.zeros((hdim, 1), jnp.float32)
    ho_m1 = jnp.concatenate([hc, ho[:, :-1]], axis=1)
    he_p1 = jnp.concatenate([he[:, 1:], hc], axis=1)
    db2 = db2_ref[...]
    b13 = b13_ref[...]
    b02 = b02_ref[...]
    xr0 = _dot(b13, jnp.concatenate([he, ho_m1], axis=0)) + db2
    xr1 = _dot(b02, jnp.concatenate([ho, he], axis=0)) + db2
    xr2 = _dot(b13, jnp.concatenate([ho, he], axis=0)) + db2
    xr3 = _dot(b02, jnp.concatenate([he_p1, ho], axis=0)) + db2
    xcat = jnp.concatenate([xr0, xr1, xr2, xr3], axis=1)
    out_ref[0] = _dot(xcat, pe_ref[...])


def _sc_gather(table, idx):
    n, d = idx.shape[0], table.shape[1]
    nc, ns = 2, 16
    nw = nc * ns
    bpw = n // nw
    mesh = plsc.VectorSubcoreMesh(core_axis_name="c", subcore_axis_name="s")

    @functools.partial(
        pl.kernel,
        mesh=mesh,
        out_type=jax.ShapeDtypeStruct((n, d), jnp.float32),
        scratch_types=[
            pltpu.VMEM((bpw,), jnp.int32),
            pltpu.VMEM((bpw, d), jnp.float32),
            pltpu.SemaphoreType.DMA,
        ],
    )
    def k(table_hbm, idx_hbm, out_hbm, idx_v, rows_v, sem):
        wid = lax.axis_index("s") * nc + lax.axis_index("c")
        base = wid * bpw
        pltpu.sync_copy(idx_hbm.at[pl.ds(base, bpw)], idx_v)
        pltpu.async_copy(table_hbm.at[idx_v], rows_v, sem).wait()
        pltpu.sync_copy(rows_v, out_hbm.at[pl.ds(base, bpw)])

    return k(table, idx)


def kernel(x, conv1_w, conv1_b, conv2_w, conv2_b, codebook,
           deconv1_w, deconv1_b, deconv2_w, deconv2_b):
    B, C_in, L = x.shape
    H = conv1_w.shape[0]
    D, K = conv2_w.shape[0], codebook.shape[0]
    Lq = L // 4
    f32 = jnp.float32

    ui = lax.broadcasted_iota(jnp.int32, (L, L), 0)
    qi = lax.broadcasted_iota(jnp.int32, (L, L), 1)
    pd = (qi == (ui % 4) * Lq + ui // 4).astype(jnp.bfloat16)
    pe = (ui == (qi % 4) * Lq + qi // 4).astype(jnp.bfloat16)
    w1cat = conv1_w.transpose(0, 2, 1).reshape(H, 4 * C_in)
    w2cat = conv2_w.transpose(0, 2, 1).reshape(D, 4 * H)
    b1c = conv1_b.reshape(H, 1)
    b2c = conv2_b.reshape(D, 1)

    ze, idx3 = pl.pallas_call(
        _enc_body,
        grid=(B,),
        in_specs=[
            pl.BlockSpec((1, C_in, L), lambda b: (b, 0, 0)),
            pl.BlockSpec((L, L), lambda b: (0, 0)),
            pl.BlockSpec((H, 4 * C_in), lambda b: (0, 0)),
            pl.BlockSpec((H, 1), lambda b: (0, 0)),
            pl.BlockSpec((D, 4 * H), lambda b: (0, 0)),
            pl.BlockSpec((D, 1), lambda b: (0, 0)),
            pl.BlockSpec((K, D), lambda b: (0, 0)),
        ],
        out_specs=[
            pl.BlockSpec((1, D, Lq), lambda b: (b, 0, 0)),
            pl.BlockSpec((1, 1, Lq), lambda b: (b, 0, 0)),
        ],
        out_shape=[
            jax.ShapeDtypeStruct((B, D, Lq), f32),
            jax.ShapeDtypeStruct((B, 1, Lq), jnp.int32),
        ],
    )(x, pd, w1cat, b1c, w2cat, b2c, codebook)

    encoding_indices = idx3.reshape(B * Lq)

    zq_flat = _sc_gather(codebook, encoding_indices)
    z_q = zq_flat.reshape(B, D, Lq)

    at = deconv1_w.transpose(2, 1, 0)
    ae = jnp.concatenate([at[1], at[3]], axis=1)
    ao = jnp.concatenate([at[0], at[2]], axis=1)
    bt = deconv2_w.transpose(2, 1, 0)
    b13 = jnp.concatenate([bt[1], bt[3]], axis=1)
    b02 = jnp.concatenate([bt[0], bt[2]], axis=1)
    db1 = deconv1_b.reshape(H, 1)
    db2 = deconv2_b.reshape(C_in, 1)

    x_recon = pl.pallas_call(
        _dec_body,
        grid=(B,),
        in_specs=[
            pl.BlockSpec((1, 1, Lq), lambda b: (b, 0, 0)),
            pl.BlockSpec((K, D), lambda b: (0, 0)),
            pl.BlockSpec((H, 2 * D), lambda b: (0, 0)),
            pl.BlockSpec((H, 2 * D), lambda b: (0, 0)),
            pl.BlockSpec((C_in, 2 * H), lambda b: (0, 0)),
            pl.BlockSpec((C_in, 2 * H), lambda b: (0, 0)),
            pl.BlockSpec((H, 1), lambda b: (0, 0)),
            pl.BlockSpec((C_in, 1), lambda b: (0, 0)),
            pl.BlockSpec((L, L), lambda b: (0, 0)),
        ],
        out_specs=pl.BlockSpec((1, C_in, L), lambda b: (b, 0, 0)),
        out_shape=jax.ShapeDtypeStruct((B, C_in, L), f32),
    )(idx3, codebook, ae, ao, b13, b02, db1, db2, pe)

    return (x_recon, z_q, encoding_indices, ze)

# --- scband reference (transcript-rebuilt; emitter-appended) ---
"""Pipeline reference for scband-vqvae-67723044323564 (READ-ONLY COPY).

The authoritative reference and input builder live on the scoring server;
editing this copy changes nothing except your own understanding.
"""

import jax, jax.numpy as jnp
import numpy as np


def conv1d(x, w, b, stride, pad):
    y = jax.lax.conv_general_dilated(x, w, (stride,), [(pad, pad)], dimension_numbers=('NCH', 'OIH', 'NCH'))
    return y + b[None, :, None]


def conv_transpose1d(x, w, b, stride, pad):
    # w in PyTorch ConvTranspose1d layout [in, out, k]
    k = w.shape[2]
    w_t = jnp.flip(jnp.transpose(w, (1, 0, 2)), axis=2)
    y = jax.lax.conv_general_dilated(x, w_t, (1,), [(k - 1 - pad, k - 1 - pad)], lhs_dilation=(stride,), dimension_numbers=('NCH', 'OIH', 'NCH'))
    return y + b[None, :, None]


def setup_inputs(seed: int = 0):
    key = jax.random.key(seed)
    ks = jax.random.split(key, 8)
    B, C_in, L = 16, 256, 2048
    H, K, D = 384, 1024, 256
    x = jax.random.normal(ks[0], (B, C_in, L), dtype=jnp.float32)
    conv1_w = jax.random.normal(ks[1], (H, C_in, 4), dtype=jnp.float32) * (1.0 / np.sqrt(C_in * 4))
    conv1_b = jnp.zeros((H,), jnp.float32)
    conv2_w = jax.random.normal(ks[2], (D, H, 4), dtype=jnp.float32) * (1.0 / np.sqrt(H * 4))
    conv2_b = jnp.zeros((D,), jnp.float32)
    codebook = jax.random.normal(ks[3], (K, D), dtype=jnp.float32)
    deconv1_w = jax.random.normal(ks[4], (D, H, 4), dtype=jnp.float32) * (1.0 / np.sqrt(D * 4))
    deconv1_b = jnp.zeros((H,), jnp.float32)
    deconv2_w = jax.random.normal(ks[5], (H, C_in, 4), dtype=jnp.float32) * (1.0 / np.sqrt(H * 4))
    deconv2_b = jnp.zeros((C_in,), jnp.float32)
    return {'x': x, 'conv1_w': conv1_w, 'conv1_b': conv1_b, 'conv2_w': conv2_w, 'conv2_b': conv2_b, 'codebook': codebook, 'deconv1_w': deconv1_w, 'deconv1_b': deconv1_b, 'deconv2_w': deconv2_w, 'deconv2_b': deconv2_b}


def reference(x, conv1_w, conv1_b, conv2_w, conv2_b, codebook, deconv1_w, deconv1_b, deconv2_w, deconv2_b):
    # encoder
    z_e = jax.nn.relu(conv1d(x, conv1_w, conv1_b, 2, 1))
    z_e = conv1d(z_e, conv2_w, conv2_b, 2, 1)
    B, D, Lq = z_e.shape
    z_e_flat = jnp.transpose(z_e, (0, 2, 1)).reshape(-1, D)
    # cdist p=2 via expanded quadratic form
    x2 = jnp.sum(z_e_flat ** 2, axis=1, keepdims=True)
    y2 = jnp.sum(codebook ** 2, axis=1)[None, :]
    d2 = jnp.maximum(x2 + y2 - 2.0 * (z_e_flat @ codebook.T), 0.0)
    distances = jnp.sqrt(d2)
    encoding_indices = jnp.argmin(distances, axis=1)
    # faithful to torch code: view flat quantized vectors back to z_e.shape ([B, D, Lq])
    z_q = jnp.take(codebook, encoding_indices, axis=0).reshape(z_e.shape)
    # decoder
    h = jax.nn.relu(conv_transpose1d(z_q, deconv1_w, deconv1_b, 2, 1))
    x_recon = conv_transpose1d(h, deconv2_w, deconv2_b, 2, 1)
    return (x_recon, z_q, encoding_indices, z_e)

if __name__ == "__main__":
    import jax
    _d = setup_inputs()
    print(jax.jit(kernel)(*tuple(_d.values())))

</pallas_src>

<mosaic_0001>
#map = affine_map<(d0, d1) -> (0, 0)>
#map1 = affine_map<(d0, d1) -> (0)>
module attributes {stable_mosaic.version = 14 : i64} {
  func.func @k(%arg0: i32, %arg1: i32, %arg2: memref<1024x256xf32, #tpu.memory_space<hbm>>, %arg3: memref<8192xi32, #tpu.memory_space<hbm>>, %arg4: memref<8192x256xf32, #tpu.memory_space<hbm>>, %arg5: memref<256xi32, #tpu.memory_space<vmem>>, %arg6: memref<256x256xf32, #tpu.memory_space<vmem>>, %arg7: memref<!tpu.dma_semaphore, #tpu.memory_space<semaphore_mem>>) attributes {dimension_semantics = [#tpu.dimension_semantics<core_parallel>, #tpu.dimension_semantics<subcore_parallel>], iteration_bounds = array<i64: 2, 16>, scalar_prefetch = 0 : i64, scratch_operands = 3 : i64, tpu.core_type = #tpu.core_type<sc_vector_subcore>, window_params = [{transform_indices = #map}, {transform_indices = #map1}, {transform_indices = #map}]} {
    %mul3A = arith.constant 2 : i32
    %mul3A_0 = arith.muli %arg1, %mul3A : i32
    %add3A = arith.addi %mul3A_0, %arg0 : i32
    %mul3A_1 = arith.constant 256 : i32
    %mul3A_2 = arith.muli %add3A, %mul3A_1 : i32
    "tpu.region"() ({
      %run_scoped3A = tpu.sem_alloc : memref<!tpu.dma_semaphore, #tpu.memory_space<semaphore_mem>>
      %dma_start3A_7 = tpu.memref_slice %arg3[%mul3A_2] : memref<8192xi32, #tpu.memory_space<hbm>> -> memref<256xi32, #tpu.memory_space<hbm>>
      %dma_start3A_8 = tpu.memref_slice %arg3[%mul3A_2] : memref<8192xi32, #tpu.memory_space<hbm>> -> memref<256xi32, #tpu.memory_space<hbm>>
      tpu.enqueue_dma source(%dma_start3A_8 : memref<256xi32, #tpu.memory_space<hbm>>) target(%arg5 : memref<256xi32, #tpu.memory_space<vmem>>) target_semaphore(%run_scoped3A : memref<!tpu.dma_semaphore, #tpu.memory_space<semaphore_mem>>)
      %dma_wait3A_9 = tpu.memref_slice %arg3[%mul3A_2] : memref<8192xi32, #tpu.memory_space<hbm>> -> memref<256xi32, #tpu.memory_space<hbm>>
      %dma_wait3A_10 = tpu.memref_slice %arg3[%mul3A_2] : memref<8192xi32, #tpu.memory_space<hbm>> -> memref<256xi32, #tpu.memory_space<hbm>>
      tpu.wait_dma2 semaphore(%run_scoped3A : memref<!tpu.dma_semaphore, #tpu.memory_space<semaphore_mem>>) src(%dma_wait3A_10 : memref<256xi32, #tpu.memory_space<hbm>>) dst(%arg5 : memref<256xi32, #tpu.memory_space<vmem>>)
      tpu.yield
    }) : () -> ()
    %dma_start3A = arith.constant 0 : i32
    %dma_start3A_3 = arith.constant 0 : i32
    %dma_start3A_4 = tpu.memref_slice %arg2[%dma_start3A, %dma_start3A_3] : memref<1024x256xf32, #tpu.memory_space<hbm>> -> memref<1024x256xf32, #tpu.memory_space<hbm>>
    tpu.enqueue_indirect_dma source(%dma_start3A_4 : memref<1024x256xf32, #tpu.memory_space<hbm>>) target(%arg6 : memref<256x256xf32, #tpu.memory_space<vmem>>) offsets(%arg5 : memref<256xi32, #tpu.memory_space<vmem>>) semaphore(%arg7 : memref<!tpu.dma_semaphore, #tpu.memory_space<semaphore_mem>>)
    %dma_wait3A = arith.constant 0 : i32
    %dma_wait3A_5 = arith.constant 0 : i32
    %dma_wait3A_6 = tpu.memref_slice %arg2[%dma_wait3A, %dma_wait3A_5] : memref<1024x256xf32, #tpu.memory_space<hbm>> -> memref<1024x256xf32, #tpu.memory_space<hbm>>
    tpu.wait_indirect_dma semaphore(%arg7 : memref<!tpu.dma_semaphore, #tpu.memory_space<semaphore_mem>>) src(%dma_wait3A_6 : memref<1024x256xf32, #tpu.memory_space<hbm>>) dst(%arg6 : memref<256x256xf32, #tpu.memory_space<vmem>>)
    "tpu.region"() ({
      %run_scoped3A = tpu.sem_alloc : memref<!tpu.dma_semaphore, #tpu.memory_space<semaphore_mem>>
      %dma_start3A_7 = arith.constant 0 : i32
      %dma_start3A_8 = tpu.memref_slice %arg4[%mul3A_2, %dma_start3A_7] : memref<8192x256xf32, #tpu.memory_space<hbm>> -> memref<256x256xf32, #tpu.memory_space<hbm>>
      %dma_start3A_9 = arith.constant 0 : i32
      %dma_start3A_10 = tpu.memref_slice %arg4[%mul3A_2, %dma_start3A_9] : memref<8192x256xf32, #tpu.memory_space<hbm>> -> memref<256x256xf32, #tpu.memory_space<hbm>>
      tpu.enqueue_dma source(%arg6 : memref<256x256xf32, #tpu.memory_space<vmem>>) target(%dma_start3A_10 : memref<256x256xf32, #tpu.memory_space<hbm>>) target_semaphore(%run_scoped3A : memref<!tpu.dma_semaphore, #tpu.memory_space<semaphore_mem>>)
      %dma_wait3A_11 = arith.constant 0 : i32
      %dma_wait3A_12 = tpu.memref_slice %arg4[%mul3A_2, %dma_wait3A_11] : memref<8192x256xf32, #tpu.memory_space<hbm>> -> memref<256x256xf32, #tpu.memory_space<hbm>>
      %dma_wait3A_13 = arith.constant 0 : i32
      %dma_wait3A_14 = tpu.memref_slice %arg4[%mul3A_2, %dma_wait3A_13] : memref<8192x256xf32, #tpu.memory_space<hbm>> -> memref<256x256xf32, #tpu.memory_space<hbm>>
      tpu.wait_dma2 semaphore(%run_scoped3A : memref<!tpu.dma_semaphore, #tpu.memory_space<semaphore_mem>>) src(%arg6 : memref<256x256xf32, #tpu.memory_space<vmem>>) dst(%dma_wait3A_14 : memref<256x256xf32, #tpu.memory_space<hbm>>)
      tpu.yield
    }) : () -> ()
    return
  }
}

module attributes {stable_mosaic.version = 14 : i64} {
  func.func @_enc_body(%arg0: i32, %arg1: memref<1x256x2048xf32, #tpu.memory_space<vmem>>, %arg2: memref<2048x2048xbf16, #tpu.memory_space<vmem>>, %arg3: memref<384x1024xf32, #tpu.memory_space<vmem>>, %arg4: memref<384x1xf32, #tpu.memory_space<vmem>>, %arg5: memref<256x1536xf32, #tpu.memory_space<vmem>>, %arg6: memref<256x1xf32, #tpu.memory_space<vmem>>, %arg7: memref<1024x256xf32, #tpu.memory_space<vmem>>, %arg8: memref<1x256x512xf32, #tpu.memory_space<vmem>>, %arg9: memref<1x1x512xi32, #tpu.memory_space<vmem>>) attributes {dimension_semantics = [#tpu.dimension_semantics<arbitrary>], iteration_bounds = array<i64: 16>, scalar_prefetch = 0 : i64, scratch_operands = 0 : i64, tpu.core_type = #tpu.core_type<tc>, window_params = [{transform_indices = @transform_0, window_bounds = array<i64: 1, 256, 2048>}, {pipeline_mode = #tpu.pipeline_mode<synchronous>, transform_indices = @transform_1, window_bounds = array<i64: 2048, 2048>}, {pipeline_mode = #tpu.pipeline_mode<synchronous>, transform_indices = @transform_2, window_bounds = array<i64: 384, 1024>}, {pipeline_mode = #tpu.pipeline_mode<synchronous>, transform_indices = @transform_3, window_bounds = array<i64: 384, 1>}, {pipeline_mode = #tpu.pipeline_mode<synchronous>, transform_indices = @transform_4, window_bounds = array<i64: 256, 1536>}, {pipeline_mode = #tpu.pipeline_mode<synchronous>, transform_indices = @transform_5, window_bounds = array<i64: 256, 1>}, {pipeline_mode = #tpu.pipeline_mode<synchronous>, transform_indices = @transform_6, window_bounds = array<i64: 1024, 256>}, {transform_indices = @transform_7, window_bounds = array<i64: 1, 256, 512>}, {transform_indices = @transform_8, window_bounds = array<i64: 1, 1, 512>}]} {
    %get3A = arith.constant 0 : index
    %get3A_0 = arith.constant 0 : index
    %get3A_1 = arith.constant 0 : index
    %get3A_2 = vector.load %arg1[%get3A, %get3A_0, %get3A_1] : memref<1x256x2048xf32, #tpu.memory_space<vmem>>, vector<1x256x2048xf32>
    %get3A_3 = vector.shape_cast %get3A_2 : vector<1x256x2048xf32> to vector<256x2048xf32>
    %get3A_4 = arith.constant 0 : index
    %get3A_5 = arith.constant 0 : index
    %get3A_6 = vector.load %arg2[%get3A_4, %get3A_5] : memref<2048x2048xbf16, #tpu.memory_space<vmem>>, vector<2048x2048xbf16>
    %convert_element_type3A = arith.truncf %get3A_3 : vector<256x2048xf32> to vector<256x2048xbf16>
    %dot_general3A = arith.constant dense<0.000000e+00> : vector<256x2048xf32>
    %dot_general3A_7 = tpu.matmul %convert_element_type3A, %get3A_6, %dot_general3A {dimension_numbers = #tpu.dot_dimension_numbers<[1], [0], [0], [1], [0, 0, 1, 1], [], []>, transpose_lhs_hint = false} : vector<256x2048xbf16>, vector<2048x2048xbf16>, vector<256x2048xf32> -> vector<256x2048xf32>
    %slice3A = vector.extract_strided_slice %dot_general3A_7 {offsets = [0, 0], sizes = [256, 512], strides = [1, 1]} : vector<256x2048xf32> to vector<256x512xf32>
    %slice3A_8 = vector.extract_strided_slice %dot_general3A_7 {offsets = [0, 512], sizes = [256, 512], strides = [1, 1]} : vector<256x2048xf32> to vector<256x512xf32>
    %slice3A_9 = vector.extract_strided_slice %dot_general3A_7 {offsets = [0, 1024], sizes = [256, 512], strides = [1, 1]} : vector<256x2048xf32> to vector<256x512xf32>
    %slice3A_10 = vector.extract_strided_slice %dot_general3A_7 {offsets = [0, 1536], sizes = [256, 512], strides = [1, 1]} : vector<256x2048xf32> to vector<256x512xf32>
    %broadcast_in_dim3A = arith.constant 0.000000e+00 : f32
    %broadcast_in_dim3A_11 = vector.broadcast %broadcast_in_dim3A : f32 to vector<256x1xf32>
    %slice3A_12 = vector.extract_strided_slice %slice3A_10 {offsets = [0, 0], sizes = [256, 511], strides = [1, 1]} : vector<256x512xf32> to vector<256x511xf32>
    %concatenate3A = tpu.concatenate %broadcast_in_dim3A_11, %slice3A_12 in 1 : vector<256x1xf32>, vector<256x511xf32> -> vector<256x512xf32>
    %slice3A_13 = vector.extract_strided_slice %slice3A {offsets = [0, 1], sizes = [256, 511], strides = [1, 1]} : vector<256x512xf32> to vector<256x511xf32>
    %concatenate3A_14 = tpu.concatenate %slice3A_13, %broadcast_in_dim3A_11 in 1 : vector<256x511xf32>, vector<256x1xf32> -> vector<256x512xf32>
    %concatenate3A_15 = tpu.concatenate %concatenate3A, %slice3A, %slice3A_8, %slice3A_9 in 0 : vector<256x512xf32>, vector<256x512xf32>, vector<256x512xf32>, vector<256x512xf32> -> vector<1024x512xf32>
    %concatenate3A_16 = tpu.concatenate %slice3A_8, %slice3A_9, %slice3A_10, %concatenate3A_14 in 0 : vector<256x512xf32>, vector<256x512xf32>, vector<256x512xf32>, vector<256x512xf32> -> vector<1024x512xf32>
    %get3A_17 = arith.constant 0 : index
    %get3A_18 = arith.constant 0 : index
    %get3A_19 = vector.load %arg3[%get3A_17, %get3A_18] : memref<384x1024xf32, #tpu.memory_space<vmem>>, vector<384x1024xf32>
    %get3A_20 = arith.constant 0 : index
    %get3A_21 = arith.constant 0 : index
    %get3A_22 = vector.load %arg4[%get3A_20, %get3A_21] : memref<384x1xf32, #tpu.memory_space<vmem>>, vector<384x1xf32>
    %convert_element_type3A_23 = arith.truncf %get3A_19 : vector<384x1024xf32> to vector<384x1024xbf16>
    %convert_element_type3A_24 = arith.truncf %concatenate3A_15 : vector<1024x512xf32> to vector<1024x512xbf16>
    %dot_general3A_25 = arith.constant dense<0.000000e+00> : vector<384x512xf32>
    %dot_general3A_26 = tpu.matmul %convert_element_type3A_23, %convert_element_type3A_24, %dot_general3A_25 {dimension_numbers = #tpu.dot_dimension_numbers<[1], [0], [0], [1], [0, 0, 1, 1], [], []>, transpose_lhs_hint = false} : vector<384x1024xbf16>, vector<1024x512xbf16>, vector<384x512xf32> -> vector<384x512xf32>
    %add3A = vector.broadcast %get3A_22 : vector<384x1xf32> to vector<384x512xf32>
    %add3A_27 = arith.addf %dot_general3A_26, %add3A : vector<384x512xf32>
    %max3A = arith.constant 0.000000e+00 : f32
    %max3A_28 = vector.broadcast %max3A : f32 to vector<384x512xf32>
    %max3A_29 = arith.maximumf %add3A_27, %max3A_28 : vector<384x512xf32>
    %convert_element_type3A_30 = arith.truncf %get3A_19 : vector<384x1024xf32> to vector<384x1024xbf16>
    %convert_element_type3A_31 = arith.truncf %concatenate3A_16 : vector<1024x512xf32> to vector<1024x512xbf16>
    %dot_general3A_32 = arith.constant dense<0.000000e+00> : vector<384x512xf32>
    %dot_general3A_33 = tpu.matmul %convert_element_type3A_30, %convert_element_type3A_31, %dot_general3A_32 {dimension_numbers = #tpu.dot_dimension_numbers<[1], [0], [0], [1], [0, 0, 1, 1], [], []>, transpose_lhs_hint = false} : vector<384x1024xbf16>, vector<1024x512xbf16>, vector<384x512xf32> -> vector<384x512xf32>
    %add3A_34 = vector.broadcast %get3A_22 : vector<384x1xf32> to vector<384x512xf32>
    %add3A_35 = arith.addf %dot_general3A_33, %add3A_34 : vector<384x512xf32>
    %max3A_36 = arith.constant 0.000000e+00 : f32
    %max3A_37 = vector.broadcast %max3A_36 : f32 to vector<384x512xf32>
    %max3A_38 = arith.maximumf %add3A_35, %max3A_37 : vector<384x512xf32>
    %broadcast_in_dim3A_39 = arith.constant 0.000000e+00 : f32
    %broadcast_in_dim3A_40 = vector.broadcast %broadcast_in_dim3A_39 : f32 to vector<384x1xf32>
    %slice3A_41 = vector.extract_strided_slice %max3A_38 {offsets = [0, 0], sizes = [384, 511], strides = [1, 1]} : vector<384x512xf32> to vector<384x511xf32>
    %concatenate3A_42 = tpu.concatenate %broadcast_in_dim3A_40, %slice3A_41 in 1 : vector<384x1xf32>, vector<384x511xf32> -> vector<384x512xf32>
    %slice3A_43 = vector.extract_strided_slice %max3A_29 {offsets = [0, 1], sizes = [384, 511], strides = [1, 1]} : vector<384x512xf32> to vector<384x511xf32>
    %concatenate3A_44 = tpu.concatenate %slice3A_43, %broadcast_in_dim3A_40 in 1 : vector<384x511xf32>, vector<384x1xf32> -> vector<384x512xf32>
    %concatenate3A_45 = tpu.concatenate %concatenate3A_42, %max3A_29, %max3A_38, %concatenate3A_44 in 0 : vector<384x512xf32>, vector<384x512xf32>, vector<384x512xf32>, vector<384x512xf32> -> vector<1536x512xf32>
    %get3A_46 = arith.constant 0 : index
    %get3A_47 = arith.constant 0 : index
    %get3A_48 = vector.load %arg5[%get3A_46, %get3A_47] : memref<256x1536xf32, #tpu.memory_space<vmem>>, vector<256x1536xf32>
    %convert_element_type3A_49 = arith.truncf %get3A_48 : vector<256x1536xf32> to vector<256x1536xbf16>
    %convert_element_type3A_50 = arith.truncf %concatenate3A_45 : vector<1536x512xf32> to vector<1536x512xbf16>
    %dot_general3A_51 = arith.constant dense<0.000000e+00> : vector<256x512xf32>
    %dot_general3A_52 = tpu.matmul %convert_element_type3A_49, %convert_element_type3A_50, %dot_general3A_51 {dimension_numbers = #tpu.dot_dimension_numbers<[1], [0], [0], [1], [0, 0, 1, 1], [], []>, transpose_lhs_hint = false} : vector<256x1536xbf16>, vector<1536x512xbf16>, vector<256x512xf32> -> vector<256x512xf32>
    %get3A_53 = arith.constant 0 : index
    %get3A_54 = arith.constant 0 : index
    %get3A_55 = vector.load %arg6[%get3A_53, %get3A_54] : memref<256x1xf32, #tpu.memory_space<vmem>>, vector<256x1xf32>
    %add3A_56 = vector.broadcast %get3A_55 : vector<256x1xf32> to vector<256x512xf32>
    %add3A_57 = arith.addf %dot_general3A_52, %add3A_56 : vector<256x512xf32>
    %swap3A = arith.constant 0 : index
    %swap3A_58 = arith.constant 0 : index
    %swap3A_59 = arith.constant 0 : index
    %swap3A_60 = vector.load %arg8[%swap3A, %swap3A_58, %swap3A_59] : memref<1x256x512xf32, #tpu.memory_space<vmem>>, vector<1x256x512xf32>
    %swap3A_61 = vector.shape_cast %swap3A_60 : vector<1x256x512xf32> to vector<256x512xf32>
    %swap3A_62 = vector.shape_cast %add3A_57 : vector<256x512xf32> to vector<1x256x512xf32>
    tpu.vector_store %arg8[%swap3A, %swap3A_58, %swap3A_59], %swap3A_62 {strides = array<i32>} : memref<1x256x512xf32, #tpu.memory_space<vmem>>, vector<1x256x512xf32>,
    %get3A_63 = arith.constant 0 : index
    %get3A_64 = arith.constant 0 : index
    %get3A_65 = vector.load %arg7[%get3A_63, %get3A_64] : memref<1024x256xf32, #tpu.memory_space<vmem>>, vector<1024x256xf32>
    %convert_element_type3A_66 = arith.truncf %get3A_65 : vector<1024x256xf32> to vector<1024x256xbf16>
    %convert_element_type3A_67 = arith.truncf %add3A_57 : vector<256x512xf32> to vector<256x512xbf16>
    %dot_general3A_68 = arith.constant dense<0.000000e+00> : vector<1024x512xf32>
    %dot_general3A_69 = tpu.matmul %convert_element_type3A_66, %convert_element_type3A_67, %dot_general3A_68 {dimension_numbers = #tpu.dot_dimension_numbers<[1], [0], [0], [1], [0, 0, 1, 1], [], []>, transpose_lhs_hint = false} : vector<1024x256xbf16>, vector<256x512xbf16>, vector<1024x512xf32> -> vector<1024x512xf32>
    %mul3A = arith.mulf %add3A_57, %add3A_57 : vector<256x512xf32>
    %reduce_sum3A = arith.constant dense<0.000000e+00> : vector<512xf32>
    %reduce_sum3A_70 = vector.multi_reduction <add>, %mul3A, %reduce_sum3A [0] : vector<256x512xf32> to vector<512xf32>
    %broadcast_in_dim3A_71 = vector.shape_cast %reduce_sum3A_70 : vector<512xf32> to vector<1x512xf32>
    %mul3A_72 = arith.mulf %get3A_65, %get3A_65 : vector<1024x256xf32>
    %reduce_sum3A_73 = arith.constant dense<0.000000e+00> : vector<1024xf32>
    %reduce_sum3A_74 = vector.multi_reduction <add>, %mul3A_72, %reduce_sum3A_73 [1] : vector<1024x256xf32> to vector<1024xf32>
    %broadcast_in_dim3A_75 = vector.shape_cast %reduce_sum3A_74 : vector<1024xf32> to vector<1024x1xf32>
    %add3A_76 = vector.broadcast %broadcast_in_dim3A_71 : vector<1x512xf32> to vector<1024x512xf32>
    %add3A_77 = vector.broadcast %broadcast_in_dim3A_75 : vector<1024x1xf32> to vector<1024x512xf32>
    %add3A_78 = arith.addf %add3A_76, %add3A_77 : vector<1024x512xf32>
    %mul3A_79 = arith.constant 2.000000e+00 : f32
    %mul3A_80 = vector.broadcast %mul3A_79 : f32 to vector<1024x512xf32>
    %mul3A_81 = arith.mulf %mul3A_80, %dot_general3A_69 : vector<1024x512xf32>
    %sub3A = arith.subf %add3A_78, %mul3A_81 : vector<1024x512xf32>
    %max3A_82 = arith.constant 0.000000e+00 : f32
    %max3A_83 = vector.broadcast %max3A_82 : f32 to vector<1024x512xf32>
    %max3A_84 = arith.maximumf %sub3A, %max3A_83 : vector<1024x512xf32>
    %sqrt3A = math.sqrt %max3A_84 : vector<1024x512xf32>
    %reduce_min3A = arith.constant dense<0x7F800000> : vector<512xf32>
    %reduce_min3A_85 = vector.multi_reduction <minimumf>, %sqrt3A, %reduce_min3A [0] : vector<1024x512xf32> to vector<512xf32>
    %broadcast_in_dim3A_86 = vector.shape_cast %reduce_min3A_85 : vector<512xf32> to vector<1x512xf32>
    %iota3A = tpu.iota {dimensions = array<i32: 0>} : vector<1024x512xi32>
    %eq3A = vector.broadcast %broadcast_in_dim3A_86 : vector<1x512xf32> to vector<1024x512xf32>
    %eq3A_87 = arith.cmpf oeq, %sqrt3A, %eq3A : vector<1024x512xf32>
    %jit3A = arith.constant 1073741824 : i32
    %broadcast_in_dim3A_88 = vector.broadcast %jit3A : i32 to vector<1024x512xi32>
    %select_n3A = arith.select %eq3A_87, %iota3A, %broadcast_in_dim3A_88 : vector<1024x512xi1>, vector<1024x512xi32>
    %reduce_min3A_89 = arith.constant dense<2147483647> : vector<512xi32>
    %reduce_min3A_90 = vector.multi_reduction <minsi>, %select_n3A, %reduce_min3A_89 [0] : vector<1024x512xi32> to vector<512xi32>
    %broadcast_in_dim3A_91 = vector.shape_cast %reduce_min3A_90 : vector<512xi32> to vector<1x512xi32>
    %swap3A_92 = arith.constant 0 : index
    %swap3A_93 = arith.constant 0 : index
    %swap3A_94 = arith.constant 0 : index
    %swap3A_95 = vector.load %arg9[%swap3A_92, %swap3A_93, %swap3A_94] : memref<1x1x512xi32, #tpu.memory_space<vmem>>, vector<1x1x512xi32>
    %swap3A_96 = vector.shape_cast %swap3A_95 : vector<1x1x512xi32> to vector<1x512xi32>
    %swap3A_97 = vector.shape_cast %broadcast_in_dim3A_91 : vector<1x512xi32> to vector<1x1x512xi32>
    tpu.vector_store %arg9[%swap3A_92, %swap3A_93, %swap3A_94], %swap3A_97 {strides = array<i32>} : memref<1x1x512xi32, #tpu.memory_space<vmem>>, vector<1x1x512xi32>,
    return
  }
  func.func @transform_0(%arg0: i32) -> (i32, i32, i32) {
    %c0_i32 = arith.constant 0 : i32
    %c0_i32_0 = arith.constant 0 : i32
    %c0_i32_1 = arith.constant 0 : i32
    return %arg0, %c0_i32, %c0_i32_0 : i32, i32, i32
  }
  func.func @transform_1(%arg0: i32) -> (i32, i32) {
    %c0_i32 = arith.constant 0 : i32
    %c0_i32_0 = arith.constant 0 : i32
    %c0_i32_1 = arith.constant 0 : i32
    return %c0_i32, %c0_i32_0 : i32, i32
  }
  func.func @transform_2(%arg0: i32) -> (i32, i32) {
    %c0_i32 = arith.constant 0 : i32
    %c0_i32_0 = arith.constant 0 : i32
    %c0_i32_1 = arith.constant 0 : i32
    return %c0_i32, %c0_i32_0 : i32, i32
  }
  func.func @transform_3(%arg0: i32) -> (i32, i32) {
    %c0_i32 = arith.constant 0 : i32
    %c0_i32_0 = arith.constant 0 : i32
    %c0_i32_1 = arith.constant 0 : i32
    return %c0_i32, %c0_i32_0 : i32, i32
  }
  func.func @transform_4(%arg0: i32) -> (i32, i32) {
    %c0_i32 = arith.constant 0 : i32
    %c0_i32_0 = arith.constant 0 : i32
    %c0_i32_1 = arith.constant 0 : i32
    return %c0_i32, %c0_i32_0 : i32, i32
  }
  func.func @transform_5(%arg0: i32) -> (i32, i32) {
    %c0_i32 = arith.constant 0 : i32
    %c0_i32_0 = arith.constant 0 : i32
    %c0_i32_1 = arith.constant 0 : i32
    return %c0_i32, %c0_i32_0 : i32, i32
  }
  func.func @transform_6(%arg0: i32) -> (i32, i32) {
    %c0_i32 = arith.constant 0 : i32
    %c0_i32_0 = arith.constant 0 : i32
    %c0_i32_1 = arith.constant 0 : i32
    return %c0_i32, %c0_i32_0 : i32, i32
  }
  func.func @transform_7(%arg0: i32) -> (i32, i32, i32) {
    %c0_i32 = arith.constant 0 : i32
    %c0_i32_0 = arith.constant 0 : i32
    %c0_i32_1 = arith.constant 0 : i32
    return %arg0, %c0_i32, %c0_i32_0 : i32, i32, i32
  }
  func.func @transform_8(%arg0: i32) -> (i32, i32, i32) {
    %c0_i32 = arith.constant 0 : i32
    %c0_i32_0 = arith.constant 0 : i32
    %c0_i32_1 = arith.constant 0 : i32
    return %arg0, %c0_i32, %c0_i32_0 : i32, i32, i32
  }
}

module attributes {stable_mosaic.version = 14 : i64} {
  func.func @_dec_body(%arg0: i32, %arg1: memref<1x1x512xi32, #tpu.memory_space<vmem>>, %arg2: memref<1024x256xf32, #tpu.memory_space<vmem>>, %arg3: memref<384x512xf32, #tpu.memory_space<vmem>>, %arg4: memref<384x512xf32, #tpu.memory_space<vmem>>, %arg5: memref<256x768xf32, #tpu.memory_space<vmem>>, %arg6: memref<256x768xf32, #tpu.memory_space<vmem>>, %arg7: memref<384x1xf32, #tpu.memory_space<vmem>>, %arg8: memref<256x1xf32, #tpu.memory_space<vmem>>, %arg9: memref<2048x2048xbf16, #tpu.memory_space<vmem>>, %arg10: memref<1x256x2048xf32, #tpu.memory_space<vmem>>) attributes {dimension_semantics = [#tpu.dimension_semantics<arbitrary>], iteration_bounds = array<i64: 16>, scalar_prefetch = 0 : i64, scratch_operands = 0 : i64, tpu.core_type = #tpu.core_type<tc>, window_params = [{transform_indices = @transform_0, window_bounds = array<i64: 1, 1, 512>}, {pipeline_mode = #tpu.pipeline_mode<synchronous>, transform_indices = @transform_1, window_bounds = array<i64: 1024, 256>}, {pipeline_mode = #tpu.pipeline_mode<synchronous>, transform_indices = @transform_2, window_bounds = array<i64: 384, 512>}, {pipeline_mode = #tpu.pipeline_mode<synchronous>, transform_indices = @transform_3, window_bounds = array<i64: 384, 512>}, {pipeline_mode = #tpu.pipeline_mode<synchronous>, transform_indices = @transform_4, window_bounds = array<i64: 256, 768>}, {pipeline_mode = #tpu.pipeline_mode<synchronous>, transform_indices = @transform_5, window_bounds = array<i64: 256, 768>}, {pipeline_mode = #tpu.pipeline_mode<synchronous>, transform_indices = @transform_6, window_bounds = array<i64: 384, 1>}, {pipeline_mode = #tpu.pipeline_mode<synchronous>, transform_indices = @transform_7, window_bounds = array<i64: 256, 1>}, {pipeline_mode = #tpu.pipeline_mode<synchronous>, transform_indices = @transform_8, window_bounds = array<i64: 2048, 2048>}, {transform_indices = @transform_9, window_bounds = array<i64: 1, 256, 2048>}]} {
    %get3A = arith.constant 0 : index
    %get3A_0 = arith.constant 0 : index
    %get3A_1 = arith.constant 0 : index
    %get3A_2 = vector.load %arg1[%get3A, %get3A_0, %get3A_1] : memref<1x1x512xi32, #tpu.memory_space<vmem>>, vector<1x1x512xi32>
    %get3A_3 = vector.shape_cast %get3A_2 : vector<1x1x512xi32> to vector<1x512xi32>
    %get3A_4 = arith.constant 0 : index
    %get3A_5 = arith.constant 0 : index
    %get3A_6 = vector.load %arg2[%get3A_4, %get3A_5] : memref<1024x256xf32, #tpu.memory_space<vmem>>, vector<1024x256xf32>
    %iota3A = tpu.iota {dimensions = array<i32: 0>} : vector<512x256xi32>
    %iota3A_7 = tpu.iota {dimensions = array<i32: 1>} : vector<512x256xi32>
    %mul3A = arith.constant 2 : i32
    %mul3A_8 = vector.broadcast %mul3A : i32 to vector<512x256xi32>
    %mul3A_9 = arith.muli %mul3A_8, %iota3A_7 : vector<512x256xi32>
    %eq3A = arith.cmpi eq, %iota3A, %mul3A_9 : vector<512x256xi32>
    %convert_element_type3A = arith.extui %eq3A : vector<512x256xi1> to vector<512x256xi32>
    %convert_element_type3A_10 = arith.sitofp %convert_element_type3A : vector<512x256xi32> to vector<512x256xf32>
    %mul3A_11 = arith.constant 2 : i32
    %mul3A_12 = vector.broadcast %mul3A_11 : i32 to vector<512x256xi32>
    %mul3A_13 = arith.muli %mul3A_12, %iota3A_7 : vector<512x256xi32>
    %add3A = arith.constant 1 : i32
    %add3A_14 = vector.broadcast %add3A : i32 to vector<512x256xi32>
    %add3A_15 = arith.addi %mul3A_13, %add3A_14 : vector<512x256xi32>
    %eq3A_16 = arith.cmpi eq, %iota3A, %add3A_15 : vector<512x256xi32>
    %convert_element_type3A_17 = arith.extui %eq3A_16 : vector<512x256xi1> to vector<512x256xi32>
    %convert_element_type3A_18 = arith.sitofp %convert_element_type3A_17 : vector<512x256xi32> to vector<512x256xf32>
    %convert_element_type3A_19 = arith.sitofp %get3A_3 : vector<1x512xi32> to vector<1x512xf32>
    %dot_general3A = arith.constant dense<0.000000e+00> : vector<1x256xf32>
    %dot_general3A_20 = tpu.matmul %convert_element_type3A_19, %convert_element_type3A_10, %dot_general3A {dimension_numbers = #tpu.dot_dimension_numbers<[1], [0], [0], [1], [0, 0, 1, 1], [], []>, precision = #tpu.contract_precision<fp32>, transpose_lhs_hint = false} : vector<1x512xf32>, vector<512x256xf32>, vector<1x256xf32> -> vector<1x256xf32>
    %convert_element_type3A_21 = arith.fptosi %dot_general3A_20 : vector<1x256xf32> to vector<1x256xi32>
    %dot_general3A_22 = arith.constant dense<0.000000e+00> : vector<1x256xf32>
    %dot_general3A_23 = tpu.matmul %convert_element_type3A_19, %convert_element_type3A_18, %dot_general3A_22 {dimension_numbers = #tpu.dot_dimension_numbers<[1], [0], [0], [1], [0, 0, 1, 1], [], []>, precision = #tpu.contract_precision<fp32>, transpose_lhs_hint = false} : vector<1x512xf32>, vector<512x256xf32>, vector<1x256xf32> -> vector<1x256xf32>
    %convert_element_type3A_24 = arith.fptosi %dot_general3A_23 : vector<1x256xf32> to vector<1x256xi32>
    %iota3A_25 = tpu.iota {dimensions = array<i32: 0>} : vector<1024x256xi32>
    %eq3A_26 = vector.broadcast %convert_element_type3A_21 : vector<1x256xi32> to vector<1024x256xi32>
    %eq3A_27 = arith.cmpi eq, %iota3A_25, %eq3A_26 : vector<1024x256xi32>
    %convert_element_type3A_28 = arith.extui %eq3A_27 : vector<1024x256xi1> to vector<1024x256xi32>
    %convert_element_type3A_29 = arith.sitofp %convert_element_type3A_28 : vector<1024x256xi32> to vector<1024x256xf32>
    %convert_element_type3A_30 = arith.truncf %convert_element_type3A_29 : vector<1024x256xf32> to vector<1024x256xbf16>
    %eq3A_31 = vector.broadcast %convert_element_type3A_24 : vector<1x256xi32> to vector<1024x256xi32>
    %eq3A_32 = arith.cmpi eq, %iota3A_25, %eq3A_31 : vector<1024x256xi32>
    %convert_element_type3A_33 = arith.extui %eq3A_32 : vector<1024x256xi1> to vector<1024x256xi32>
    %convert_element_type3A_34 = arith.sitofp %convert_element_type3A_33 : vector<1024x256xi32> to vector<1024x256xf32>
    %convert_element_type3A_35 = arith.truncf %convert_element_type3A_34 : vector<1024x256xf32> to vector<1024x256xbf16>
    %transpose3A = tpu.transpose %convert_element_type3A_30, [1, 0] : vector<1024x256xbf16> -> vector<256x1024xbf16>
    %convert_element_type3A_36 = arith.truncf %get3A_6 : vector<1024x256xf32> to vector<1024x256xbf16>
    %dot_general3A_37 = arith.constant dense<0.000000e+00> : vector<256x256xf32>
    %dot_general3A_38 = tpu.matmul %transpose3A, %convert_element_type3A_36, %dot_general3A_37 {dimension_numbers = #tpu.dot_dimension_numbers<[1], [0], [0], [1], [0, 0, 1, 1], [], []>, transpose_lhs_hint = false} : vector<256x1024xbf16>, vector<1024x256xbf16>, vector<256x256xf32> -> vector<256x256xf32>
    %transpose3A_39 = tpu.transpose %convert_element_type3A_35, [1, 0] : vector<1024x256xbf16> -> vector<256x1024xbf16>
    %convert_element_type3A_40 = arith.truncf %get3A_6 : vector<1024x256xf32> to vector<1024x256xbf16>
    %dot_general3A_41 = arith.constant dense<0.000000e+00> : vector<256x256xf32>
    %dot_general3A_42 = tpu.matmul %transpose3A_39, %convert_element_type3A_40, %dot_general3A_41 {dimension_numbers = #tpu.dot_dimension_numbers<[1], [0], [0], [1], [0, 0, 1, 1], [], []>, transpose_lhs_hint = false} : vector<256x1024xbf16>, vector<1024x256xbf16>, vector<256x256xf32> -> vector<256x256xf32>
    %concatenate3A = tpu.concatenate %dot_general3A_38, %dot_general3A_42 in 1 : vector<256x256xf32>, vector<256x256xf32> -> vector<256x512xf32>
    %broadcast_in_dim3A = arith.constant 0.000000e+00 : f32
    %broadcast_in_dim3A_43 = vector.broadcast %broadcast_in_dim3A : f32 to vector<256x1xf32>
    %slice3A = vector.extract_strided_slice %concatenate3A {offsets = [0, 0], sizes = [256, 511], strides = [1, 1]} : vector<256x512xf32> to vector<256x511xf32>
    %concatenate3A_44 = tpu.concatenate %broadcast_in_dim3A_43, %slice3A in 1 : vector<256x1xf32>, vector<256x511xf32> -> vector<256x512xf32>
    %slice3A_45 = vector.extract_strided_slice %concatenate3A {offsets = [0, 1], sizes = [256, 511], strides = [1, 1]} : vector<256x512xf32> to vector<256x511xf32>
    %concatenate3A_46 = tpu.concatenate %slice3A_45, %broadcast_in_dim3A_43 in 1 : vector<256x511xf32>, vector<256x1xf32> -> vector<256x512xf32>
    %get3A_47 = arith.constant 0 : index
    %get3A_48 = arith.constant 0 : index
    %get3A_49 = vector.load %arg7[%get3A_47, %get3A_48] : memref<384x1xf32, #tpu.memory_space<vmem>>, vector<384x1xf32>
    %get3A_50 = arith.constant 0 : index
    %get3A_51 = arith.constant 0 : index
    %get3A_52 = vector.load %arg3[%get3A_50, %get3A_51] : memref<384x512xf32, #tpu.memory_space<vmem>>, vector<384x512xf32>
    %concatenate3A_53 = tpu.concatenate %concatenate3A, %concatenate3A_44 in 0 : vector<256x512xf32>, vector<256x512xf32> -> vector<512x512xf32>
    %convert_element_type3A_54 = arith.truncf %get3A_52 : vector<384x512xf32> to vector<384x512xbf16>
    %convert_element_type3A_55 = arith.truncf %concatenate3A_53 : vector<512x512xf32> to vector<512x512xbf16>
    %dot_general3A_56 = arith.constant dense<0.000000e+00> : vector<384x512xf32>
    %dot_general3A_57 = tpu.matmul %convert_element_type3A_54, %convert_element_type3A_55, %dot_general3A_56 {dimension_numbers = #tpu.dot_dimension_numbers<[1], [0], [0], [1], [0, 0, 1, 1], [], []>, transpose_lhs_hint = false} : vector<384x512xbf16>, vector<512x512xbf16>, vector<384x512xf32> -> vector<384x512xf32>
    %add3A_58 = vector.broadcast %get3A_49 : vector<384x1xf32> to vector<384x512xf32>
    %add3A_59 = arith.addf %dot_general3A_57, %add3A_58 : vector<384x512xf32>
    %max3A = arith.constant 0.000000e+00 : f32
    %max3A_60 = vector.broadcast %max3A : f32 to vector<384x512xf32>
    %max3A_61 = arith.maximumf %add3A_59, %max3A_60 : vector<384x512xf32>
    %get3A_62 = arith.constant 0 : index
    %get3A_63 = arith.constant 0 : index
    %get3A_64 = vector.load %arg4[%get3A_62, %get3A_63] : memref<384x512xf32, #tpu.memory_space<vmem>>, vector<384x512xf32>
    %concatenate3A_65 = tpu.concatenate %concatenate3A_46, %concatenate3A in 0 : vector<256x512xf32>, vector<256x512xf32> -> vector<512x512xf32>
    %convert_element_type3A_66 = arith.truncf %get3A_64 : vector<384x512xf32> to vector<384x512xbf16>
    %convert_element_type3A_67 = arith.truncf %concatenate3A_65 : vector<512x512xf32> to vector<512x512xbf16>
    %dot_general3A_68 = arith.constant dense<0.000000e+00> : vector<384x512xf32>
    %dot_general3A_69 = tpu.matmul %convert_element_type3A_66, %convert_element_type3A_67, %dot_general3A_68 {dimension_numbers = #tpu.dot_dimension_numbers<[1], [0], [0], [1], [0, 0, 1, 1], [], []>, transpose_lhs_hint = false} : vector<384x512xbf16>, vector<512x512xbf16>, vector<384x512xf32> -> vector<384x512xf32>
    %add3A_70 = vector.broadcast %get3A_49 : vector<384x1xf32> to vector<384x512xf32>
    %add3A_71 = arith.addf %dot_general3A_69, %add3A_70 : vector<384x512xf32>
    %max3A_72 = arith.constant 0.000000e+00 : f32
    %max3A_73 = vector.broadcast %max3A_72 : f32 to vector<384x512xf32>
    %max3A_74 = arith.maximumf %add3A_71, %max3A_73 : vector<384x512xf32>
    %broadcast_in_dim3A_75 = arith.constant 0.000000e+00 : f32
    %broadcast_in_dim3A_76 = vector.broadcast %broadcast_in_dim3A_75 : f32 to vector<384x1xf32>
    %slice3A_77 = vector.extract_strided_slice %max3A_74 {offsets = [0, 0], sizes = [384, 511], strides = [1, 1]} : vector<384x512xf32> to vector<384x511xf32>
    %concatenate3A_78 = tpu.concatenate %broadcast_in_dim3A_76, %slice3A_77 in 1 : vector<384x1xf32>, vector<384x511xf32> -> vector<384x512xf32>
    %slice3A_79 = vector.extract_strided_slice %max3A_61 {offsets = [0, 1], sizes = [384, 511], strides = [1, 1]} : vector<384x512xf32> to vector<384x511xf32>
    %concatenate3A_80 = tpu.concatenate %slice3A_79, %broadcast_in_dim3A_76 in 1 : vector<384x511xf32>, vector<384x1xf32> -> vector<384x512xf32>
    %get3A_81 = arith.constant 0 : index
    %get3A_82 = arith.constant 0 : index
    %get3A_83 = vector.load %arg8[%get3A_81, %get3A_82] : memref<256x1xf32, #tpu.memory_space<vmem>>, vector<256x1xf32>
    %get3A_84 = arith.constant 0 : index
    %get3A_85 = arith.constant 0 : index
    %get3A_86 = vector.load %arg5[%get3A_84, %get3A_85] : memref<256x768xf32, #tpu.memory_space<vmem>>, vector<256x768xf32>
    %get3A_87 = arith.constant 0 : index
    %get3A_88 = arith.constant 0 : index
    %get3A_89 = vector.load %arg6[%get3A_87, %get3A_88] : memref<256x768xf32, #tpu.memory_space<vmem>>, vector<256x768xf32>
    %concatenate3A_90 = tpu.concatenate %max3A_61, %concatenate3A_78 in 0 : vector<384x512xf32>, vector<384x512xf32> -> vector<768x512xf32>
    %convert_element_type3A_91 = arith.truncf %get3A_86 : vector<256x768xf32> to vector<256x768xbf16>
    %convert_element_type3A_92 = arith.truncf %concatenate3A_90 : vector<768x512xf32> to vector<768x512xbf16>
    %dot_general3A_93 = arith.constant dense<0.000000e+00> : vector<256x512xf32>
    %dot_general3A_94 = tpu.matmul %convert_element_type3A_91, %convert_element_type3A_92, %dot_general3A_93 {dimension_numbers = #tpu.dot_dimension_numbers<[1], [0], [0], [1], [0, 0, 1, 1], [], []>, transpose_lhs_hint = false} : vector<256x768xbf16>, vector<768x512xbf16>, vector<256x512xf32> -> vector<256x512xf32>
    %add3A_95 = vector.broadcast %get3A_83 : vector<256x1xf32> to vector<256x512xf32>
    %add3A_96 = arith.addf %dot_general3A_94, %add3A_95 : vector<256x512xf32>
    %concatenate3A_97 = tpu.concatenate %max3A_74, %max3A_61 in 0 : vector<384x512xf32>, vector<384x512xf32> -> vector<768x512xf32>
    %convert_element_type3A_98 = arith.truncf %get3A_89 : vector<256x768xf32> to vector<256x768xbf16>
    %convert_element_type3A_99 = arith.truncf %concatenate3A_97 : vector<768x512xf32> to vector<768x512xbf16>
    %dot_general3A_100 = arith.constant dense<0.000000e+00> : vector<256x512xf32>
    %dot_general3A_101 = tpu.matmul %convert_element_type3A_98, %convert_element_type3A_99, %dot_general3A_100 {dimension_numbers = #tpu.dot_dimension_numbers<[1], [0], [0], [1], [0, 0, 1, 1], [], []>, transpose_lhs_hint = false} : vector<256x768xbf16>, vector<768x512xbf16>, vector<256x512xf32> -> vector<256x512xf32>
    %add3A_102 = vector.broadcast %get3A_83 : vector<256x1xf32> to vector<256x512xf32>
    %add3A_103 = arith.addf %dot_general3A_101, %add3A_102 : vector<256x512xf32>
    %concatenate3A_104 = tpu.concatenate %max3A_74, %max3A_61 in 0 : vector<384x512xf32>, vector<384x512xf32> -> vector<768x512xf32>
    %convert_element_type3A_105 = arith.truncf %get3A_86 : vector<256x768xf32> to vector<256x768xbf16>
    %convert_element_type3A_106 = arith.truncf %concatenate3A_104 : vector<768x512xf32> to vector<768x512xbf16>
    %dot_general3A_107 = arith.constant dense<0.000000e+00> : vector<256x512xf32>
    %dot_general3A_108 = tpu.matmul %convert_element_type3A_105, %convert_element_type3A_106, %dot_general3A_107 {dimension_numbers = #tpu.dot_dimension_numbers<[1], [0], [0], [1], [0, 0, 1, 1], [], []>, transpose_lhs_hint = false} : vector<256x768xbf16>, vector<768x512xbf16>, vector<256x512xf32> -> vector<256x512xf32>
    %add3A_109 = vector.broadcast %get3A_83 : vector<256x1xf32> to vector<256x512xf32>
    %add3A_110 = arith.addf %dot_general3A_108, %add3A_109 : vector<256x512xf32>
    %concatenate3A_111 = tpu.concatenate %concatenate3A_80, %max3A_74 in 0 : vector<384x512xf32>, vector<384x512xf32> -> vector<768x512xf32>
    %convert_element_type3A_112 = arith.truncf %get3A_89 : vector<256x768xf32> to vector<256x768xbf16>
    %convert_element_type3A_113 = arith.truncf %concatenate3A_111 : vector<768x512xf32> to vector<768x512xbf16>
    %dot_general3A_114 = arith.constant dense<0.000000e+00> : vector<256x512xf32>
    %dot_general3A_115 = tpu.matmul %convert_element_type3A_112, %convert_element_type3A_113, %dot_general3A_114 {dimension_numbers = #tpu.dot_dimension_numbers<[1], [0], [0], [1], [0, 0, 1, 1], [], []>, transpose_lhs_hint = false} : vector<256x768xbf16>, vector<768x512xbf16>, vector<256x512xf32> -> vector<256x512xf32>
    %add3A_116 = vector.broadcast %get3A_83 : vector<256x1xf32> to vector<256x512xf32>
    %add3A_117 = arith.addf %dot_general3A_115, %add3A_116 : vector<256x512xf32>
    %concatenate3A_118 = tpu.concatenate %add3A_96, %add3A_103, %add3A_110, %add3A_117 in 1 : vector<256x512xf32>, vector<256x512xf32>, vector<256x512xf32>, vector<256x512xf32> -> vector<256x2048xf32>
    %get3A_119 = arith.constant 0 : index
    %get3A_120 = arith.constant 0 : index
    %get3A_121 = vector.load %arg9[%get3A_119, %get3A_120] : memref<2048x2048xbf16, #tpu.memory_space<vmem>>, vector<2048x2048xbf16>
    %convert_element_type3A_122 = arith.truncf %concatenate3A_118 : vector<256x2048xf32> to vector<256x2048xbf16>
    %dot_general3A_123 = arith.constant dense<0.000000e+00> : vector<256x2048xf32>
    %dot_general3A_124 = tpu.matmul %convert_element_type3A_122, %get3A_121, %dot_general3A_123 {dimension_numbers = #tpu.dot_dimension_numbers<[1], [0], [0], [1], [0, 0, 1, 1], [], []>, transpose_lhs_hint = false} : vector<256x2048xbf16>, vector<2048x2048xbf16>, vector<256x2048xf32> -> vector<256x2048xf32>
    %swap3A = arith.constant 0 : index
    %swap3A_125 = arith.constant 0 : index
    %swap3A_126 = arith.constant 0 : index
    %swap3A_127 = vector.load %arg10[%swap3A, %swap3A_125, %swap3A_126] : memref<1x256x2048xf32, #tpu.memory_space<vmem>>, vector<1x256x2048xf32>
    %swap3A_128 = vector.shape_cast %swap3A_127 : vector<1x256x2048xf32> to vector<256x2048xf32>
    %swap3A_129 = vector.shape_cast %dot_general3A_124 : vector<256x2048xf32> to vector<1x256x2048xf32>
    tpu.vector_store %arg10[%swap3A, %swap3A_125, %swap3A_126], %swap3A_129 {strides = array<i32>} : memref<1x256x2048xf32, #tpu.memory_space<vmem>>, vector<1x256x2048xf32>,
    return
  }
  func.func @transform_0(%arg0: i32) -> (i32, i32, i32) {
    %c0_i32 = arith.constant 0 : i32
    %c0_i32_0 = arith.constant 0 : i32
    %c0_i32_1 = arith.constant 0 : i32
    return %arg0, %c0_i32, %c0_i32_0 : i32, i32, i32
  }
  func.func @transform_1(%arg0: i32) -> (i32, i32) {
    %c0_i32 = arith.constant 0 : i32
    %c0_i32_0 = arith.constant 0 : i32
    %c0_i32_1 = arith.constant 0 : i32
    return %c0_i32, %c0_i32_0 : i32, i32
  }
  func.func @transform_2(%arg0: i32) -> (i32, i32) {
    %c0_i32 = arith.constant 0 : i32
    %c0_i32_0 = arith.constant 0 : i32
    %c0_i32_1 = arith.constant 0 : i32
    return %c0_i32, %c0_i32_0 : i32, i32
  }
  func.func @transform_3(%arg0: i32) -> (i32, i32) {
    %c0_i32 = arith.constant 0 : i32
    %c0_i32_0 = arith.constant 0 : i32
    %c0_i32_1 = arith.constant 0 : i32
    return %c0_i32, %c0_i32_0 : i32, i32
  }
  func.func @transform_4(%arg0: i32) -> (i32, i32) {
    %c0_i32 = arith.constant 0 : i32
    %c0_i32_0 = arith.constant 0 : i32
    %c0_i32_1 = arith.constant 0 : i32
    return %c0_i32, %c0_i32_0 : i32, i32
  }
  func.func @transform_5(%arg0: i32) -> (i32, i32) {
    %c0_i32 = arith.constant 0 : i32
    %c0_i32_0 = arith.constant 0 : i32
    %c0_i32_1 = arith.constant 0 : i32
    return %c0_i32, %c0_i32_0 : i32, i32
  }
  func.func @transform_6(%arg0: i32) -> (i32, i32) {
    %c0_i32 = arith.constant 0 : i32
    %c0_i32_0 = arith.constant 0 : i32
    %c0_i32_1 = arith.constant 0 : i32
    return %c0_i32, %c0_i32_0 : i32, i32
  }
  func.func @transform_7(%arg0: i32) -> (i32, i32) {
    %c0_i32 = arith.constant 0 : i32
    %c0_i32_0 = arith.constant 0 : i32
    %c0_i32_1 = arith.constant 0 : i32
    return %c0_i32, %c0_i32_0 : i32, i32
  }
  func.func @transform_8(%arg0: i32) -> (i32, i32) {
    %c0_i32 = arith.constant 0 : i32
    %c0_i32_0 = arith.constant 0 : i32
    %c0_i32_1 = arith.constant 0 : i32
    return %c0_i32, %c0_i32_0 : i32, i32
  }
  func.func @transform_9(%arg0: i32) -> (i32, i32, i32) {
    %c0_i32 = arith.constant 0 : i32
    %c0_i32_0 = arith.constant 0 : i32
    %c0_i32_1 = arith.constant 0 : i32
    return %arg0, %c0_i32, %c0_i32_0 : i32, i32, i32
  }
}

</mosaic_0001>

<sc_bundles>
// kernel: kernel.5.cloned.1.call-start
scs
__scs_entry_jumppad:
0x0: {  	(pc) =	sbr.rel $0x88, $3  }
0x1: {  	(tag) =	ssettag $0x0;
	lr =	simm.s32 $0x1  }
0x2: {  	[smem:$0x3F97] =	sst lr;
	_ =	strace $0xD0000000  }
0x3: {  	_ = 	snop  }
0x4: {  	_ = 	snop  }
0x5: {  	_ = 	snop  }
0x6: {  	_ = 	snop  }
0x7: {  	_ = 	snop  }
__scs_overlays_trampoline_lowered:
0x8: {  	[smem:$0x3FA6] =	sst s0  }
0x9: {  	[smem:$0x3FA7] =	sst s1  }
0xa: {  	[smem:$0x3FA8] =	sst s2  }
0xb: {  	[smem:$0x3FA9] =	sst s3  }
0xc: {  	[smem:$0x3FAA] =	sst s4  }
0xd: {  	[smem:$0x3FAB] =	sst s5  }
0xe: {  	[smem:$0x3FAC] =	sst s6  }
0xf: {  	[smem:$0x3FAD] =	sst s7  }
0x10: {  	[smem:$0x3FAE] =	sst s8  }
0x11: {  	[smem:$0x3FAF] =	sst s9;
	s0 =	simm.s32 @!p0 $0x0  }
0x12: {  	s1 =	sld [smem:$0x3F95];
	s0 =	simm.s32 @p0 $0x1  }
0x13: {  	[smem:$0x3FB0] =	sst s0;
	s0 =	simm.s32 @!p1 $0x0  }
0x14: {  	s2 =	sld [smem:$0x3F94];
	s0 =	simm.s32 @p1 $0x1  }
0x15: {  	[smem:$0x3FB1] =	sst s0;
	s0 =	simm.s32 @!p2 $0x0  }
0x16: {  	s3 =	sld [smem:$0x3FDB];
	s0 =	simm.s32 @p2 $0x1  }
0x17: {  	s4 =	simm.s32 $0x1BF5;
	[smem:$0x3FB3] =	sst s0  }
0x18: {  	s0 =	sld [smem:$0x3F96];
	_ =	swait.ge [sflag:s4], $0x0  }
0x19: {  	s7 =	sld [smem:$0x3F97]  }
0x1a: {  	s8 =	sadd.s32 $0xFFFFE003, lr  }
0x1b: {  	s9 =	sadd.s32 $0xFFFFFEF7, lr;
	s5 =	simm.s32 $0xFFFFFFFF;
	p2 =	slt.u32 s8, $0xFFFFF086  }
0x1c: {  	p1 =	slt.u32 s9, $0xF7A;
	s5 =	simm.s32 @!p2 $0x0  }
0x1d: {  	s5 =	simm.s32 @p1 $0x1;
	p0 =	seq.s32 s7, s2  }
0x1e: {  	s7 =	smul.u32 @!p0 $0xF7A, s2;
	p2 =	seq.s32 @!p0 s5, $0x0  }
0x1f: {  	s9 =	smul.u32 $0xF7A, s1;
	s8 =	simm.s32 @!p0 $0x1BF5;
	p2 =	por !p2, p0  }
0x20: {  	[sflag:s8] =	ssyncset.s32 @!p0 $0xFFFFF086;
	s6 =	sadd.s32 @!p0 s3, s7;
	s7 =	simm.s32 @!p0 $0x108  }
0x21: {  	s3 =	sadd.s32 s3, s9;
	s6 =	sadd.s32 @!p0 $0x88, s6;
	s7 =	simm.s32 @p2 $0x1082  }
0x22: {  	[simem:s7], [sflag:s8] =	dma.local @!p0 [hbm:s6], $0xF7A  }
0x23: {  	s9 =	sor.u32 $0xD0000000, s2;
	s6 =	simm.s32 $0x108;
	_ =	swait.ge @!p0 [sflag:s8], $0x0  }
0x24: {  	s3 =	sadd.s32 $0x88, s3;
	s6 =	simm.s32 @!p1 $0x1082;
	[sflag:s4] =	ssyncset.s32 $0xFFFFF086  }
0x25: {  	[simem:s6], [sflag:s4] =	dma.local [hbm:s3], $0xF7A  }
0x26: {  	[smem:$0x3F97] =	sst s1;
	(tag) =	ssettag s2;
	_ =	strace s9  }
0x27: {  	s1 =	sld [smem:$0x3FA7]  }
0x28: {  	s2 =	sld [smem:$0x3FA8]  }
0x29: {  	s4 =	sld [smem:$0x3FAA]  }
0x2a: {  	p0 =	seq.s32 s5, $0x0;
	s5 =	sld [smem:$0x3FAB]  }
0x2b: {  	s6 =	sld [smem:$0x3FAC]  }
0x2c: {  	s7 =	sld [smem:$0x3FAD]  }
0x2d: {  	s3 =	simm.s32 $0x108;
	s8 =	sld [smem:$0x3FAE]  }
0x2e: {  	s3 =	simm.s32 @!p0 $0x1082;
	s9 =	sld [smem:$0x3FAF]  }
0x2f: {  	lr =	sadd.s32 s0, s3;
	s0 =	sld [smem:$0x3FA6]  }
0x30: {  	s3 =	sld [smem:$0x3FA9]  }
0x31: {  	[smem:$0x3FB2] =	sst s10  }
0x32: {  	s10 =	sld [smem:$0x3FB0];
	_ =	sdelay $0x3  }
0x33: {  	p0 =	seq.s32 s10, $0x1;
	s10 =	sld [smem:$0x3FB2];
	_ =	sdelay $0x3  }
0x34: {  	[smem:$0x3FB2] =	sst s10  }
0x35: {  	s10 =	sld [smem:$0x3FB1];
	_ =	sdelay $0x3  }
0x36: {  	p1 =	seq.s32 s10, $0x1;
	s10 =	sld [smem:$0x3FB2];
	_ =	sdelay $0x3  }
0x37: {  	[smem:$0x3FB2] =	sst s10  }
0x38: {  	s10 =	sld [smem:$0x3FB3]  }
0x39: {  	_ = 	snop;
	(pc) =	sbr.ind lr, $3  }
0x3a: {  	_ = 	snop  }
0x3b: {  	_ = 	snop  }
0x3c: {  	p2 =	seq.s32 s10, $0x1;
	s10 =	sld [smem:$0x3FB2]  }
0x3d: {  	_ =	shalt  }
0x3e: {  	_ =	shalt  }
0x3f: {  	_ =	shalt  }
0x40: {  	_ =	shalt  }
0x41: {  	_ =	shalt  }
0x42: {  	_ =	shalt  }
0x43: {  	_ =	shalt  }
0x44: {  	_ =	shalt  }
0x45: {  	_ =	shalt  }
0x46: {  	_ =	shalt  }
0x47: {  	_ =	shalt  }
0x48: {  	_ =	shalt  }
0x49: {  	_ =	shalt  }
0x4a: {  	_ =	shalt  }
0x4b: {  	_ =	shalt  }
0x4c: {  	_ =	shalt  }
0x4d: {  	_ =	shalt  }
0x4e: {  	_ =	shalt  }
0x4f: {  	_ =	shalt  }
0x50: {  	_ =	shalt  }
0x51: {  	_ =	shalt  }
0x52: {  	_ =	shalt  }
0x53: {  	_ =	shalt  }
0x54: {  	_ =	shalt  }
0x55: {  	_ =	shalt  }
0x56: {  	_ =	shalt  }
0x57: {  	_ =	shalt  }
0x58: {  	_ =	shalt  }
0x59: {  	_ =	shalt  }
0x5a: {  	_ =	shalt  }
0x5b: {  	_ =	shalt  }
0x5c: {  	_ =	shalt  }
0x5d: {  	_ =	shalt  }
0x5e: {  	_ =	shalt  }
0x5f: {  	_ =	shalt  }
0x60: {  	_ =	shalt  }
0x61: {  	_ =	shalt  }
0x62: {  	_ =	shalt  }
0x63: {  	_ =	shalt  }
0x64: {  	_ =	shalt  }
0x65: {  	_ =	shalt  }
0x66: {  	_ =	shalt  }
0x67: {  	_ =	shalt  }
0x68: {  	_ =	shalt  }
0x69: {  	_ =	shalt  }
0x6a: {  	_ =	shalt  }
0x6b: {  	_ =	shalt  }
0x6c: {  	_ =	shalt  }
0x6d: {  	_ =	shalt  }
0x6e: {  	_ =	shalt  }
0x6f: {  	_ =	shalt  }
0x70: {  	_ =	shalt  }
0x71: {  	_ =	shalt  }
0x72: {  	_ =	shalt  }
0x73: {  	_ =	shalt  }
0x74: {  	_ =	shalt  }
0x75: {  	_ =	shalt  }
0x76: {  	_ =	shalt  }
0x77: {  	_ =	shalt  }
0x78: {  	_ =	shalt  }
0x79: {  	_ =	shalt  }
0x7a: {  	_ =	shalt  }
0x7b: {  	_ =	shalt  }
0x7c: {  	_ =	shalt  }
0x7d: {  	_ =	shalt  }
0x7e: {  	_ =	shalt  }
0x7f: {  	_ =	shalt  }
0x80: {  	_ =	shalt  }
0x81: {  	_ =	shalt  }
0x82: {  	_ =	shalt  }
0x83: {  	_ =	shalt  }
0x84: {  	_ =	shalt  }
0x85: {  	_ =	shalt  }
0x86: {  	_ =	shalt  }
0x87: {  	_ =	shalt  }
.Lfunc_end0:
.L_simem_size_0:
called_computation_lowered:
.L_overlay_start_0:
0x88: {  	s2 =	sld [smem:$0x3FD9]  }
0x89: {  	s3 =	sld [smem:$0x3FFE];
	_ =	sdelay $0x1  }
0x8a: {  	s1 =	srdreg.scid  }
0x8b: {  	s0 =	sand.u32 $0x1, s1  }
0x8c: {  	s14 =	sshll.u32 s0, $0xA;
	s2 =	sadd.s32 s3, s2  }
0x8d: {  	s2 =	sadd.s32 s2, s14  }
0x8e: {  	[smem:$0x3FBE] =	sst s2  }
0x8f: {  	_ = 	snop  }
0x90: {  	s2 =	sld [smem:$0x3FD0];
	_ =	sdelay $0x2  }
0x91: {  	s4 =	simm.s32 $0xA;
	s5 =	simm.s32 $0x10;
	s15 =	sld [smem:$0x3FC4]  }
0x92: {  	[smem:s5], [sflag:s4] =	dma.local [hbm:s2], $0x1  }
0x93: {  	_ =	swait.eq [sflag:s4], $0x1  }
0x94: {  	[sflag:s4] =	ssyncset.done $0x0  }
0x95: {  	[sflag:s4] =	ssyncadd.s32 $0xFFFFFFFF  }
0x96: {  	s16 =	sld [smem:$0x12];
	(tm) =	ssettm $0x1  }
0x97: {  	s17 =	sld [smem:$0x3FFB];
	_ =	sdelay $0x3  }
0x98: {  	_ =	strace s17  }
0x99: {  	s4 =	sld [smem:$0x3FFC];
	_ =	sdelay $0x3  }
0x9a: {  	_ =	strace s4  }
0x9b: {  	s4 =	sld [smem:$0x3FFD];
	_ =	sdelay $0x3  }
0x9c: {  	_ =	strace s4  }
0x9d: {  	_ =	strace $0x8FFFFFFF  }
0x9e: {  	s18 =	sld [smem:$0x3FDB];
	_ =	sdelay $0x1  }
0x9f: {  	s19 =	simm.s32 $_scs_section_size  }
0xa0: {  	s6 =	simm.s32 $_size__tile_overlayer_lowered;
	s7 =	simm.s32 $_tile_overlayer_lowered  }
0xa1: {  	s22 =	simm.s32 $0x1BFF;
	s21 =	sshll.u32 s7, $0x1;
	s4 =	sadd.s32 s19, s18  }
0xa2: {  	s8 =	simm.s32 $0x0;
	s20 =	sshll.u32 s6, $0x1;
	s6 =	sadd.s32 s21, s4  }
0xa3: {  	[timem:s8], [sflag:s22] =	dma.local [hbm:s6], s20  }
0xa4: {  	_ =	swait.ge [sflag:s22], s20  }
0xa5: {  	s5 =	ssub.s32 $0x0, s20;
	[sflag:s22] =	ssyncset.done $0x0  }
0xa6: {  	[sflag:s22] =	ssyncadd.s32 s5;
	_ =	sdelay $0x1  }
0xa7: {  	s23 =	simm.s32 $0x1B8B  }
0xa8: {  	_ =	swait.ge [sflag:s23], $0x1  }
0xa9: {  	[sflag:s23] =	ssyncset.done $0x0  }
0xaa: {  	s25 =	simm.s32 $0x1B8E;
	s24 =	sld [smem:$0x3FFE];
	[sflag:s23] =	ssyncadd.s32 $0xFFFFFFFF  }
0xab: {  	s26 =	simm.s32 $execute0_lowered;
	[smem:$0x3FD2] =	sst s25  }
0xac: {  	s6 =	sshll.u32 s26, $0x1;
	_ =	strace $0x80000046;
	[dreg:$0x1] =	wrdreg $0xFFFFFFFF  }
0xad: {  	s28 =	simm.s32 $_size_execute0_lowered;
	s4 =	sadd.s32 s4, s6;
	[dreg:$0x0] =	wrdreg $0x0  }
0xae: {  	s6 =	sshll.u32 s28, $0x1;
	[dreg:$0x2] =	wrdreg s4  }
0xaf: {  	[dreg:$0x3] =	wrdreg s6  }
0xb0: {  	[dreg:$0x4] =	wrdreg $0xC0  }
0xb1: {  	_ =	task [dreg:s8], $0x5FFFF  }
0xb2: {  	[dreg:$0x1] =	wrdreg $0xFFFFFFFF  }
0xb3: {  	[dreg:$0x0] =	wrdreg $0x60  }
0xb4: {  	[dreg:$0x2] =	wrdreg s15  }
0xb5: {  	[dreg:$0x3] =	wrdreg s16  }
0xb6: {  	[dreg:$0x4] =	wrdreg s24  }
0xb7: {  	[dreg:$0x5] =	wrdreg $0x9  }
0xb8: {  	_ =	task.clear_ibuf [dreg:s8], $0x6FFFF;
	_ =	strace $0x90000046  }
0xb9: {  	s29 =	simm.s32 $0x9;
	_ =	strace $0x80000048  }
0xba: {  	_ =	swait.ge [sflag:s29], $0x1  }
0xbb: {  	[sflag:s29] =	ssyncadd.s32 $0xFFFFFFFF  }
0xbc: {  	_ =	strace $0x90000048  }
0xbd: {  	_ =	sfence  }
0xbe: {  	s30 =	sld [smem:$0x0];
	_ =	sdelay $0x2  }
0xbf: {  	s31 =	sshll.u32 s1, $0xD;
	s1 =	sshrl.u32 s1, $0x2  }
0xc0: {  	s3 =	sand.u32 $0x4000, s31;
	s1 =	sadd.s32 s1, s30  }
0xc1: {  	s0 =	sor.u32 s3, s0;
	s1 =	sshll.u32 s1, $0x11  }
0xc2: {  	s0 =	sor.u32 s1, s0  }
0xc3: {  	s0 =	sadd.s32 $0x8F2B, s0  }
0xc4: {  	[sflag:s0] =	ssyncadd.remote.s32 $0x1  }
0xc5: {  	_ =	sfence.sel $0xFFFF  }
0xc6: {  	[dreg:$0x0] =	wrdreg $0xFFFFFFFF;
	(pc) =	sbr.abs _section_cstart, $3  }
0xc7: {  	[dreg:$0x1] =	wrdreg $0xFFFFFFFF  }
0xc8: {  	_ =	task.clear_ibuf [dreg:s8], $0x2FFFF;
	_ =	strace $0x9FFFFFFF  }
0xc9: {  	(tm) =	ssettm $0x7FFFFFFF  }
tec
execute0_lowered:
.L_overlay_start_1:
0x0: {  	(tag) =	ssettag $0x1  }
0x1: {  	s1 =	rddreg [dreg:$0x0]  }
0x2: {  	s2 =	srdreg.scid;
	s4 =	rddreg [dreg:$0x1]  }
0x3: {  	s0 =	stileid.u32;
	s5 =	rddreg [dreg:$0x2];
	s3 =	simm.s32 $0x0  }
0x4: {  	s19 =	simm.s32 $0x900;
	s20 =	simm.s32 $0x1100;
	s21 =	simm.s32 $0x1900  }
0x5: {  	s23 =	simm.s32 $0x2100;
	s24 =	simm.s32 $0x2900;
	s25 =	simm.s32 $0x3100  }
0x6: {  	s26 =	simm.s32 $0x3900;
	s8 =	simm.s32 $0x4900;
	s9 =	simm.s32 $0x5100  }
0x7: {  	s10 =	simm.s32 $0x5900;
	s11 =	simm.s32 $0x6100;
	s12 =	simm.s32 $0x6900  }
0x8: {  	s13 =	simm.s32 $0x7100;
	s14 =	simm.s32 $0x7900;
	[smem:$0x7FF] =	sst s3  }
0x9: {  	s15 =	simm.s32 $0x8100;
	_ =	strace $0x80000047;
	[dreg:$0x6] =	wrdreg s19  }
0xa: {  	s16 =	simm.s32 $0x8900;
	s17 =	simm.s32 $0x9100;
	[dreg:$0x7] =	wrdreg s20  }
0xb: {  	s28 =	simm.s32 $0xE100;
	s29 =	simm.s32 $0xE900;
	[dreg:$0x8] =	wrdreg s21  }
0xc: {  	s30 =	simm.s32 $0xF100;
	s31 =	simm.s32 $0xF900;
	[dreg:$0x9] =	wrdreg s23  }
0xd: {  	s2 =	sand.u32 $0x1, s2;
	s6 =	sshll.u32 s0, $0x9;
	[dreg:$0xa] =	wrdreg s24  }
0xe: {  	s7 =	sshll.u32 s2, $0x8;
	s2 =	ssub.s32 $0x2, s2;
	[dreg:$0xb] =	wrdreg s25  }
0xf: {  	[dreg:$0xc] =	wrdreg s26;
	s19 =	simm.s32 $0xA100;
	s20 =	simm.s32 $0xA900  }
0x10: {  	s21 =	simm.s32 $0xB100;
	s23 =	simm.s32 $0xC100;
	s24 =	simm.s32 $0xC900  }
0x11: {  	s25 =	simm.s32 $0xD100;
	s26 =	simm.s32 $0xD900;
	s6 =	sor.u32 s7, s6  }
0x12: {  	s22 =	sshrl.u32 s2, $0x1;
	s7 =	sshll.u32 s6, $0x5;
	s6 =	sshrl.u32 s6, $0x3  }
0x13: {  	s2 =	ssub.s32 s2, s22;
	s22 =	simm.s32 $0xB900;
	s4 =	sadd.s32 s4, s6  }
0x14: {  	v2 =	vlaneseq.u32;
	s5 =	sadd.s32 s7, s5;
	s6 =	simm.s32 $0x100;
	[dreg:$0x4] =	wrdreg s4  }
0x15: {  	vm0 =	vmmov $0xffff;
	v1 =	vshrl.u32 v2, $0x3;
	s18 =	sadd.s32 $0x2400, s5;
	s4 =	smax.u32 s2, $0x1;
	s5 =	simm.s32 $0x2  }
0x16: {  	v0 =	vand.u32 $0x7, v2;
	v2 =	vor.u32 $0x8, v2;
	v1 =	vmul.u32 $0x8, v1;
	s2 =	simm.s32 $0x1;
	[dreg:$0x5] =	wrdreg s18;
	s18 =	simm.s32 $0x9900  }
.LBB2_1:
0x17: {  	s0 =	rddreg [dreg:$0x4]  }
0x18: {  	[tilespmem:s3], [sflag:$0x2] =	stream.linear.gather [hbm4b:s0+s3], $0x100, $0x38;
	[tilespmem:$0x10100] =	vst v63  }
0x19: {  	_ =	swait.ge [sflag:s5], $0x100  }
0x1a: {  	[sflag:s5] =	ssyncset.done $0x0  }
0x1b: {  	[sflag:s5] =	ssyncadd.s32 $0xFFFFFF00  }
0x1c: {  	v3 =	vld [tilespmem:$0x0];
	_ =	sdelay $0x4  }
0x1d: {  	v4 =	vshll.u32 v3, $0x1  }
0x1e: {  	v3 =	vand.u32 $0x7, v3;
	v4 =	vand.u32 $0xFFFFFFF0, v4  }
0x1f: {  	v3 =	vor.u32 v3, v4  }
0x20: {  	v4 =	vperm.xlane v3, v0;
	_ =	sdelay $0x1  }
0x21: {  	v3 =	vperm.xlane v3, v2;
	v4 =	vadd.s32 v1, v4;
	_ =	sdelay $0x1  }
0x22: {  	v3 =	vadd.s32 v1, v3;
	_ =	sdelay $0x2  }
0x23: {  	[tilespmem:s6], [sflag:$0x1] =	stream.indirect_vreg.gather [hbm4b:s1+s3], $0x80, v4, vm0, $0xb8;
	[tilespmem:$0x10100] =	vst v63  }
0x24: {  	s7 =	rddreg [dreg:$0x6]  }
0x25: {  	[tilespmem:s7], [sflag:$0x1] =	stream.indirect_vreg.gather [hbm4b:s1+s3], $0x80, v3, vm0, $0xb8;
	[tilespmem:$0x10100] =	vst v63  }
0x26: {  	v3 =	vld [tilespmem:$0x10];
	_ =	sdelay $0x4  }
0x27: {  	v49 =	vshll.u32 v3, $0x1  }
0x28: {  	v3 =	vand.u32 $0x7, v3;
	v4 =	vand.u32 $0xFFFFFFF0, v49  }
0x29: {  	v3 =	vor.u32 v3, v4  }
0x2a: {  	v4 =	vperm.xlane v3, v0;
	_ =	sdelay $0x1  }
0x2b: {  	v3 =	vperm.xlane v3, v2;
	v4 =	vadd.s32 v1, v4;
	_ =	sdelay $0x1  }
0x2c: {  	v3 =	vadd.s32 v1, v3;
	_ =	sdelay $0x1  }
0x2d: {  	s0 =	rddreg [dreg:$0x7]  }
0x2e: {  	[tilespmem:s0], [sflag:$0x1] =	stream.indirect_vreg.gather [hbm4b:s1+s3], $0x80, v4, vm0, $0xb8;
	[tilespmem:$0x10100] =	vst v63  }
0x2f: {  	s7 =	rddreg [dreg:$0x8]  }
0x30: {  	[tilespmem:s7], [sflag:$0x1] =	stream.indirect_vreg.gather [hbm4b:s1+s3], $0x80, v3, vm0, $0xb8;
	[tilespmem:$0x10100] =	vst v63  }
0x31: {  	v3 =	vld [tilespmem:$0x20];
	_ =	sdelay $0x4  }
0x32: {  	v50 =	vshll.u32 v3, $0x1  }
0x33: {  	v3 =	vand.u32 $0x7, v3;
	v4 =	vand.u32 $0xFFFFFFF0, v50  }
0x34: {  	v3 =	vor.u32 v3, v4  }
0x35: {  	v4 =	vperm.xlane v3, v0;
	_ =	sdelay $0x1  }
0x36: {  	v3 =	vperm.xlane v3, v2;
	v4 =	vadd.s32 v1, v4;
	_ =	sdelay $0x1  }
0x37: {  	v3 =	vadd.s32 v1, v3;
	_ =	sdelay $0x1  }
0x38: {  	s0 =	rddreg [dreg:$0x9]  }
0x39: {  	[tilespmem:s0], [sflag:$0x1] =	stream.indirect_vreg.gather [hbm4b:s1+s3], $0x80, v4, vm0, $0xb8;
	[tilespmem:$0x10100] =	vst v63  }
0x3a: {  	s7 =	rddreg [dreg:$0xa]  }
0x3b: {  	[tilespmem:s7], [sflag:$0x1] =	stream.indirect_vreg.gather [hbm4b:s1+s3], $0x80, v3, vm0, $0xb8;
	[tilespmem:$0x10100] =	vst v63  }
0x3c: {  	v3 =	vld [tilespmem:$0x30];
	_ =	sdelay $0x4  }
0x3d: {  	v51 =	vshll.u32 v3, $0x1  }
0x3e: {  	v3 =	vand.u32 $0x7, v3;
	v4 =	vand.u32 $0xFFFFFFF0, v51  }
0x3f: {  	v3 =	vor.u32 v3, v4  }
0x40: {  	v4 =	vperm.xlane v3, v0;
	_ =	sdelay $0x1  }
0x41: {  	v3 =	vperm.xlane v3, v2;
	v4 =	vadd.s32 v1, v4;
	_ =	sdelay $0x1  }
0x42: {  	v3 =	vadd.s32 v1, v3;
	_ =	sdelay $0x1  }
0x43: {  	s0 =	rddreg [dreg:$0xb]  }
0x44: {  	[tilespmem:s0], [sflag:$0x1] =	stream.indirect_vreg.gather [hbm4b:s1+s3], $0x80, v4, vm0, $0xb8;
	[tilespmem:$0x10100] =	vst v63  }
0x45: {  	s7 =	rddreg [dreg:$0xc]  }
0x46: {  	[tilespmem:s7], [sflag:$0x1] =	stream.indirect_vreg.gather [hbm4b:s1+s3], $0x80, v3, vm0, $0xb8;
	[tilespmem:$0x10100] =	vst v63  }
0x47: {  	v3 =	vld [tilespmem:$0x40];
	_ =	sdelay $0x4  }
0x48: {  	v52 =	vshll.u32 v3, $0x1  }
0x49: {  	v3 =	vand.u32 $0x7, v3;
	v4 =	vand.u32 $0xFFFFFFF0, v52  }
0x4a: {  	v3 =	vor.u32 v3, v4  }
0x4b: {  	v4 =	vperm.xlane v3, v0;
	_ =	sdelay $0x1  }
0x4c: {  	v3 =	vperm.xlane v3, v2;
	v4 =	vadd.s32 v1, v4;
	_ =	sdelay $0x1  }
0x4d: {  	v3 =	vadd.s32 v1, v3;
	_ =	sdelay $0x1  }
0x4e: {  	s7 =	simm.s32 $0x4100  }
0x4f: {  	[tilespmem:s7], [sflag:$0x1] =	stream.indirect_vreg.gather [hbm4b:s1+s3], $0x80, v4, vm0, $0xb8;
	[tilespmem:$0x10100] =	vst v63  }
0x50: {  	_ = 	snop  }
0x51: {  	[tilespmem:s8], [sflag:$0x1] =	stream.indirect_vreg.gather [hbm4b:s1+s3], $0x80, v3, vm0, $0xb8;
	[tilespmem:$0x10100] =	vst v63  }
0x52: {  	v3 =	vld [tilespmem:$0x50];
	_ =	sdelay $0x4  }
0x53: {  	v53 =	vshll.u32 v3, $0x1  }
0x54: {  	v3 =	vand.u32 $0x7, v3;
	v4 =	vand.u32 $0xFFFFFFF0, v53  }
0x55: {  	v3 =	vor.u32 v3, v4  }
0x56: {  	v4 =	vperm.xlane v3, v0;
	_ =	sdelay $0x1  }
0x57: {  	v3 =	vperm.xlane v3, v2;
	v4 =	vadd.s32 v1, v4;
	_ =	sdelay $0x1  }
0x58: {  	v3 =	vadd.s32 v1, v3;
	_ =	sdelay $0x2  }
0x59: {  	[tilespmem:s9], [sflag:$0x1] =	stream.indirect_vreg.gather [hbm4b:s1+s3], $0x80, v4, vm0, $0xb8;
	[tilespmem:$0x10100] =	vst v63  }
0x5a: {  	_ = 	snop  }
0x5b: {  	[tilespmem:s10], [sflag:$0x1] =	stream.indirect_vreg.gather [hbm4b:s1+s3], $0x80, v3, vm0, $0xb8;
	[tilespmem:$0x10100] =	vst v63  }
0x5c: {  	v3 =	vld [tilespmem:$0x60];
	_ =	sdelay $0x4  }
0x5d: {  	v54 =	vshll.u32 v3, $0x1  }
0x5e: {  	v3 =	vand.u32 $0x7, v3;
	v4 =	vand.u32 $0xFFFFFFF0, v54  }
0x5f: {  	v3 =	vor.u32 v3, v4  }
0x60: {  	v4 =	vperm.xlane v3, v0;
	_ =	sdelay $0x1  }
0x61: {  	v3 =	vperm.xlane v3, v2;
	v4 =	vadd.s32 v1, v4;
	_ =	sdelay $0x1  }
0x62: {  	v3 =	vadd.s32 v1, v3;
	_ =	sdelay $0x2  }
0x63: {  	[tilespmem:s11], [sflag:$0x1] =	stream.indirect_vreg.gather [hbm4b:s1+s3], $0x80, v4, vm0, $0xb8;
	[tilespmem:$0x10100] =	vst v63  }
0x64: {  	_ = 	snop  }
0x65: {  	[tilespmem:s12], [sflag:$0x1] =	stream.indirect_vreg.gather [hbm4b:s1+s3], $0x80, v3, vm0, $0xb8;
	[tilespmem:$0x10100] =	vst v63  }
0x66: {  	v3 =	vld [tilespmem:$0x70];
	_ =	sdelay $0x4  }
0x67: {  	v55 =	vshll.u32 v3, $0x1  }
0x68: {  	v3 =	vand.u32 $0x7, v3;
	v4 =	vand.u32 $0xFFFFFFF0, v55  }
0x69: {  	v3 =	vor.u32 v3, v4  }
0x6a: {  	v4 =	vperm.xlane v3, v0;
	_ =	sdelay $0x1  }
0x6b: {  	v3 =	vperm.xlane v3, v2;
	v4 =	vadd.s32 v1, v4;
	_ =	sdelay $0x1  }
0x6c: {  	v3 =	vadd.s32 v1, v3;
	_ =	sdelay $0x2  }
0x6d: {  	[tilespmem:s13], [sflag:$0x1] =	stream.indirect_vreg.gather [hbm4b:s1+s3], $0x80, v4, vm0, $0xb8;
	[tilespmem:$0x10100] =	vst v63  }
0x6e: {  	_ = 	snop  }
0x6f: {  	[tilespmem:s14], [sflag:$0x1] =	stream.indirect_vreg.gather [hbm4b:s1+s3], $0x80, v3, vm0, $0xb8;
	[tilespmem:$0x10100] =	vst v63  }
0x70: {  	v3 =	vld [tilespmem:$0x80];
	_ =	sdelay $0x4  }
0x71: {  	v56 =	vshll.u32 v3, $0x1  }
0x72: {  	v3 =	vand.u32 $0x7, v3;
	v4 =	vand.u32 $0xFFFFFFF0, v56  }
0x73: {  	v3 =	vor.u32 v3, v4  }
0x74: {  	v4 =	vperm.xlane v3, v0;
	_ =	sdelay $0x1  }
0x75: {  	v3 =	vperm.xlane v3, v2;
	v4 =	vadd.s32 v1, v4;
	_ =	sdelay $0x1  }
0x76: {  	v3 =	vadd.s32 v1, v3;
	_ =	sdelay $0x2  }
0x77: {  	[tilespmem:s15], [sflag:$0x1] =	stream.indirect_vreg.gather [hbm4b:s1+s3], $0x80, v4, vm0, $0xb8;
	[tilespmem:$0x10100] =	vst v63  }
0x78: {  	_ = 	snop  }
0x79: {  	[tilespmem:s16], [sflag:$0x1] =	stream.indirect_vreg.gather [hbm4b:s1+s3], $0x80, v3, vm0, $0xb8;
	[tilespmem:$0x10100] =	vst v63  }
0x7a: {  	v3 =	vld [tilespmem:$0x90];
	_ =	sdelay $0x4  }
0x7b: {  	v57 =	vshll.u32 v3, $0x1  }
0x7c: {  	v3 =	vand.u32 $0x7, v3;
	v4 =	vand.u32 $0xFFFFFFF0, v57  }
0x7d: {  	v3 =	vor.u32 v3, v4  }
0x7e: {  	v4 =	vperm.xlane v3, v0;
	_ =	sdelay $0x1  }
0x7f: {  	v3 =	vperm.xlane v3, v2;
	v4 =	vadd.s32 v1, v4;
	_ =	sdelay $0x1  }
0x80: {  	v3 =	vadd.s32 v1, v3;
	_ =	sdelay $0x2  }
0x81: {  	[tilespmem:s17], [sflag:$0x1] =	stream.indirect_vreg.gather [hbm4b:s1+s3], $0x80, v4, vm0, $0xb8;
	[tilespmem:$0x10100] =	vst v63  }
0x82: {  	_ = 	snop  }
0x83: {  	[tilespmem:s18], [sflag:$0x1] =	stream.indirect_vreg.gather [hbm4b:s1+s3], $0x80, v3, vm0, $0xb8;
	[tilespmem:$0x10100] =	vst v63  }
0x84: {  	v3 =	vld [tilespmem:$0xA0];
	_ =	sdelay $0x4  }
0x85: {  	v58 =	vshll.u32 v3, $0x1  }
0x86: {  	v3 =	vand.u32 $0x7, v3;
	v4 =	vand.u32 $0xFFFFFFF0, v58  }
0x87: {  	v3 =	vor.u32 v3, v4  }
0x88: {  	v4 =	vperm.xlane v3, v0;
	_ =	sdelay $0x1  }
0x89: {  	v3 =	vperm.xlane v3, v2;
	v4 =	vadd.s32 v1, v4;
	_ =	sdelay $0x1  }
0x8a: {  	v3 =	vadd.s32 v1, v3;
	_ =	sdelay $0x2  }
0x8b: {  	[tilespmem:s19], [sflag:$0x1] =	stream.indirect_vreg.gather [hbm4b:s1+s3], $0x80, v4, vm0, $0xb8;
	[tilespmem:$0x10100] =	vst v63  }
0x8c: {  	_ = 	snop  }
0x8d: {  	[tilespmem:s20], [sflag:$0x1] =	stream.indirect_vreg.gather [hbm4b:s1+s3], $0x80, v3, vm0, $0xb8;
	[tilespmem:$0x10100] =	vst v63  }
0x8e: {  	v3 =	vld [tilespmem:$0xB0];
	_ =	sdelay $0x4  }
0x8f: {  	v59 =	vshll.u32 v3, $0x1  }
0x90: {  	v3 =	vand.u32 $0x7, v3;
	v4 =	vand.u32 $0xFFFFFFF0, v59  }
0x91: {  	v3 =	vor.u32 v3, v4  }
0x92: {  	v4 =	vperm.xlane v3, v0;
	_ =	sdelay $0x1  }
0x93: {  	v3 =	vperm.xlane v3, v2;
	v4 =	vadd.s32 v1, v4;
	_ =	sdelay $0x1  }
0x94: {  	v3 =	vadd.s32 v1, v3;
	_ =	sdelay $0x2  }
0x95: {  	[tilespmem:s21], [sflag:$0x1] =	stream.indirect_vreg.gather [hbm4b:s1+s3], $0x80, v4, vm0, $0xb8;
	[tilespmem:$0x10100] =	vst v63  }
0x96: {  	_ = 	snop  }
0x97: {  	[tilespmem:s22], [sflag:$0x1] =	stream.indirect_vreg.gather [hbm4b:s1+s3], $0x80, v3, vm0, $0xb8;
	[tilespmem:$0x10100] =	vst v63  }
0x98: {  	v3 =	vld [tilespmem:$0xC0];
	_ =	sdelay $0x4  }
0x99: {  	v60 =	vshll.u32 v3, $0x1  }
0x9a: {  	v3 =	vand.u32 $0x7, v3;
	v4 =	vand.u32 $0xFFFFFFF0, v60  }
0x9b: {  	v3 =	vor.u32 v3, v4  }
0x9c: {  	v4 =	vperm.xlane v3, v0;
	_ =	sdelay $0x1  }
0x9d: {  	v3 =	vperm.xlane v3, v2;
	v4 =	vadd.s32 v1, v4;
	_ =	sdelay $0x1  }
0x9e: {  	v3 =	vadd.s32 v1, v3;
	_ =	sdelay $0x2  }
0x9f: {  	[tilespmem:s23], [sflag:$0x1] =	stream.indirect_vreg.gather [hbm4b:s1+s3], $0x80, v4, vm0, $0xb8;
	[tilespmem:$0x10100] =	vst v63  }
0xa0: {  	_ = 	snop  }
0xa1: {  	[tilespmem:s24], [sflag:$0x1] =	stream.indirect_vreg.gather [hbm4b:s1+s3], $0x80, v3, vm0, $0xb8;
	[tilespmem:$0x10100] =	vst v63  }
0xa2: {  	v3 =	vld [tilespmem:$0xD0];
	_ =	sdelay $0x4  }
0xa3: {  	v61 =	vshll.u32 v3, $0x1  }
0xa4: {  	v3 =	vand.u32 $0x7, v3;
	v4 =	vand.u32 $0xFFFFFFF0, v61  }
0xa5: {  	v3 =	vor.u32 v3, v4  }
0xa6: {  	v4 =	vperm.xlane v3, v0;
	_ =	sdelay $0x1  }
0xa7: {  	v3 =	vperm.xlane v3, v2;
	v4 =	vadd.s32 v1, v4;
	_ =	sdelay $0x1  }
0xa8: {  	v3 =	vadd.s32 v1, v3;
	_ =	sdelay $0x2  }
0xa9: {  	[tilespmem:s25], [sflag:$0x1] =	stream.indirect_vreg.gather [hbm4b:s1+s3], $0x80, v4, vm0, $0xb8;
	[tilespmem:$0x10100] =	vst v63  }
0xaa: {  	_ = 	snop  }
0xab: {  	[tilespmem:s26], [sflag:$0x1] =	stream.indirect_vreg.gather [hbm4b:s1+s3], $0x80, v3, vm0, $0xb8;
	[tilespmem:$0x10100] =	vst v63  }
0xac: {  	v3 =	vld [tilespmem:$0xE0];
	_ =	sdelay $0x4  }
0xad: {  	v62 =	vshll.u32 v3, $0x1  }
0xae: {  	v3 =	vand.u32 $0x7, v3;
	v4 =	vand.u32 $0xFFFFFFF0, v62  }
0xaf: {  	v3 =	vor.u32 v3, v4  }
0xb0: {  	v4 =	vperm.xlane v3, v0;
	_ =	sdelay $0x1  }
0xb1: {  	v3 =	vperm.xlane v3, v2;
	v4 =	vadd.s32 v1, v4;
	_ =	sdelay $0x1  }
0xb2: {  	v3 =	vadd.s32 v1, v3;
	_ =	sdelay $0x2  }
0xb3: {  	[tilespmem:s28], [sflag:$0x1] =	stream.indirect_vreg.gather [hbm4b:s1+s3], $0x80, v4, vm0, $0xb8;
	[tilespmem:$0x10100] =	vst v63  }
0xb4: {  	_ = 	snop  }
0xb5: {  	[tilespmem:s29], [sflag:$0x1] =	stream.indirect_vreg.gather [hbm4b:s1+s3], $0x80, v3, vm0, $0xb8;
	[tilespmem:$0x10100] =	vst v63  }
0xb6: {  	v3 =	vld [tilespmem:$0xF0];
	_ =	sdelay $0x4  }
0xb7: {  	v63 =	vshll.u32 v3, $0x1  }
0xb8: {  	v3 =	vand.u32 $0x7, v3;
	v4 =	vand.u32 $0xFFFFFFF0, v63  }
0xb9: {  	v3 =	vor.u32 v3, v4  }
0xba: {  	v4 =	vperm.xlane v3, v0;
	_ =	sdelay $0x1  }
0xbb: {  	v3 =	vperm.xlane v3, v2;
	v4 =	vadd.s32 v1, v4;
	_ =	sdelay $0x1  }
0xbc: {  	v3 =	vadd.s32 v1, v3;
	_ =	sdelay $0x2  }
0xbd: {  	[tilespmem:s30], [sflag:$0x1] =	stream.indirect_vreg.gather [hbm4b:s1+s3], $0x80, v4, vm0, $0xb8;
	[tilespmem:$0x10100] =	vst v63  }
0xbe: {  	_ = 	snop  }
0xbf: {  	[tilespmem:s31], [sflag:$0x1] =	stream.indirect_vreg.gather [hbm4b:s1+s3], $0x80, v3, vm0, $0xb8;
	[tilespmem:$0x10100] =	vst v63  }
0xc0: {  	_ =	swait.ge [sflag:s2], $0x10000  }
0xc1: {  	p0 =	sne.s32 s4, $0x1;
	[sflag:s2] =	ssyncset.done $0x0  }
.Ltmp0:
0xc2: {  	s7 =	rddreg [dreg:$0x5];
	[sflag:s2] =	ssyncadd.s32 $0xFFFF0000;
	(pc) =	sbr.rel @p0 .LBB2_1-.Ltmp0, $4  }
0xc3: {  	[hbm4b:s7+s3] =	stream.linear.scatter [tilespmem:s6], [sflag:$0x2], $0x10000, $0x38;
	[tilespmem:$0x10100] =	vst v63  }
0xc4: {  	_ =	swait.ge [sflag:s5], $0x10000  }
0xc5: {  	[sflag:s5] =	ssyncset.done $0x0  }
0xc6: {  	s4 =	sadd.s32 $0xFFFFFFFF, s4;
	[sflag:s5] =	ssyncadd.s32 $0xFFFF0000  }
0xc7: {  	_ =	sfence.sel $0x180000  }
0xc8: {  	[bflag:$0x0] =	sbarrier.arrive $0xFFFF  }
0xc9: {  	_ =	strace $0x90000047  }
0xca: {  	s0 =	stileid.u32;
	[bflag:$0x2] =	sbarrier.arrive $0xFFFF  }
0xcb: {  	p0 =	sne.s32 s0, $0x0;
	s0 =	rddreg [dreg:$0x3]  }
0xcc: {  	s0 =	sadd.s32 @!p0 $0x100000, s0  }
0xcd: {  	[sflag:s0] =	ssyncadd.tile.s32 @!p0 $0x1;
	_ =	shalt  }
.Lfunc_end2:
_tile_overlayer_lowered:
.L_overlay_start_2:
0xce: {  	(tag) =	ssettag $0x2  }
0xcf: {  	s0 =	rddreg [dreg:$0x0];
	s2 =	stileid.u32  }
0xd0: {  	s1 =	rddreg [dreg:$0x1];
	p0 =	sne.s32 s2, $0x0  }
0xd1: {  	s3 =	rddreg [dreg:$0x2];
	[bflag:$0x3] =	sbarrier.arrive $0xFFFF;
	s2 =	simm.s32 @!p0 $0x1C02  }
0xd2: {  	[timem:s3], [sflag:s2] =	dma.local @!p0 [hbm:s0], s1  }
0xd3: {  	s0 =	simm.s32 @!p0 $0x2  }
0xd4: {  	_ =	swait.ge @!p0 [sflag:s0], s1  }
0xd5: {  	s1 =	ssub.s32 @!p0 $0x0, s1;
	[sflag:s0] =	ssyncset.done @!p0 $0x0  }
0xd6: {  	[sflag:s0] =	ssyncadd.s32 @!p0 s1  }
0xd7: {  	[bflag:$0x3] =	sbarrier.arrive $0xFFFF  }
0xd8: {  	_ =	shalt  }

</sc_bundles>
